<compile_context>
chip_gen: v7x
topology: tpu7x:2x2x1
jax: 0.10.2.dev20260603
libtpu: 0.0.44.dev20260713+nightly
codegen_flags: <defaults>
</compile_context>

<pallas_src>
import functools

import jax
import jax.numpy as jnp
from jax import lax
from jax.experimental import pallas as pl
from jax.experimental.pallas import tpu as pltpu
from jax.experimental.pallas import tpu_sc as plsc

N_TOKENS = 4096
D_MODEL = 2048
CONN = 72
CONN_PAD = 128
TOP_K = 2
TBLK = 1024

NUM_WORKERS = 32
TPW = N_TOKENS // NUM_WORKERS
LANES = 16
GROUPS = TPW // LANES
TBL_STRIDE = 4
NEG = -1e30


def _logits_body(x_ref, w_ref, out_ref, xout_ref):
    out_ref[:, :CONN] = jnp.dot(x_ref[...], w_ref[...],
                                preferred_element_type=jnp.float32)
    xout_ref[...] = x_ref[...]


@functools.cache
def _compute_logits():
    return pl.pallas_call(
        _logits_body,
        grid=(N_TOKENS // TBLK,),
        in_specs=[
            pl.BlockSpec((TBLK, D_MODEL), lambda i: (i, 0)),
            pl.BlockSpec((D_MODEL, CONN), lambda i: (0, 0)),
        ],
        out_specs=[
            pl.BlockSpec((TBLK, CONN_PAD), lambda i: (i, 0)),
            pl.BlockSpec((TBLK, D_MODEL), lambda i: (i, 0)),
        ],
        out_shape=[
            jax.ShapeDtypeStruct((N_TOKENS, CONN_PAD), jnp.float32),
            jax.ShapeDtypeStruct((N_TOKENS, D_MODEL), jnp.float32),
        ],
    )


def _route_body(logits_hbm, table_hbm, probs_hbm, coords_hbm,
                lg_a, lg_b, tb_v, pr_v, co_v, sem_a, sem_b):
    wid = lax.axis_index("s") * 2 + lax.axis_index("c")
    base = wid * TPW
    HALF = TPW // 2
    cp_a = pltpu.async_copy(logits_hbm.at[pl.ds(base, HALF)], lg_a, sem_a)
    cp_b = pltpu.async_copy(logits_hbm.at[pl.ds(base + HALF, HALF)], lg_b,
                            sem_b)
    pltpu.sync_copy(table_hbm, tb_v)

    lanes = lax.iota(jnp.int32, 16)
    zeros = jnp.zeros((16,), jnp.int32)
    IL = 4
    for blk in range(GROUPS // IL):
        lg_v = (lg_a, lg_b)[blk]
        (cp_a, cp_b)[blk].wait()
        loc = [g * LANES + lanes for g in range(IL)]
        toks = [blk * HALF + l for l in loc]

        def top2_step(c, carry):
            cv = zeros + c
            outs = []
            for g in range(IL):
                v1, i1, v2, i2, d = carry[5 * g: 5 * g + 5]
                lv = plsc.load_gather(lg_v, [loc[g], cv])
                gt1 = lv > v1
                lo = jnp.minimum(lv, v1)
                v1n = jnp.maximum(lv, v1)
                gt2 = lo > v2
                v2n = jnp.maximum(lo, v2)
                i1n = jnp.where(gt1, cv, i1)
                ilo = jnp.where(gt1, i1, cv)
                i2n = jnp.where(gt2, ilo, i2)
                dn = d * jnp.exp(v1 - v1n) + jnp.exp(lv - v1n)
                outs += [v1n, i1n, v2n, i2n, dn]
            return tuple(outs)

        neg = jnp.full((16,), NEG, jnp.float32)
        zf = jnp.zeros((16,), jnp.float32)
        init = tuple(x for _ in range(IL)
                     for x in (neg, zeros, neg, zeros, zf))
        top2 = lax.fori_loop(0, CONN, top2_step, init)

        for g in range(IL):
            v1, i1, v2, i2, d = top2[5 * g: 5 * g + 5]
            tok = toks[g]
            inv_d = 1.0 / d
            p1 = inv_d
            p2 = jnp.exp(v2 - v1) * inv_d
            plsc.store_scatter(pr_v, [tok, zeros], p1)
            plsc.store_scatter(pr_v, [tok, zeros + 1], p2)
            for comp in range(3):
                c1 = plsc.load_gather(tb_v, [i1 * TBL_STRIDE + comp])
                c2 = plsc.load_gather(tb_v, [i2 * TBL_STRIDE + comp])
                plsc.store_scatter(co_v, [tok, zeros, zeros + comp], c1)
                plsc.store_scatter(co_v, [tok, zeros + 1, zeros + comp], c2)

    pltpu.sync_copy(pr_v, probs_hbm.at[pl.ds(base, TPW)])
    pltpu.sync_copy(co_v, coords_hbm.at[pl.ds(base, TPW)])


@functools.cache
def _route():
    return pl.kernel(
        _route_body,
        out_type=(
            jax.ShapeDtypeStruct((N_TOKENS, TOP_K), jnp.float32),
            jax.ShapeDtypeStruct((N_TOKENS, TOP_K, 3), jnp.int32),
        ),
        mesh=plsc.VectorSubcoreMesh(core_axis_name="c", subcore_axis_name="s"),
        compiler_params=pltpu.CompilerParams(needs_layout_passes=False),
        scratch_types=[
            pltpu.VMEM((TPW // 2, CONN_PAD), jnp.float32),
            pltpu.VMEM((TPW // 2, CONN_PAD), jnp.float32),
            pltpu.VMEM((CONN * TBL_STRIDE,), jnp.int32),
            pltpu.VMEM((TPW, TOP_K), jnp.float32),
            pltpu.VMEM((TPW, TOP_K, 3), jnp.int32),
            pltpu.SemaphoreType.DMA,
            pltpu.SemaphoreType.DMA,
        ],
    )


def kernel(input, W_router, neuron_connections):
    table = jnp.pad(neuron_connections, ((0, 0), (0, TBL_STRIDE - 3))).reshape(-1)
    logits, x_copy = _compute_logits()(input, W_router)
    top_probs, selected = _route()(logits, table)
    return (x_copy, top_probs, selected)

# --- scband reference (transcript-rebuilt; emitter-appended) ---
"""Pipeline reference for scband-terminal-23321672417293 (READ-ONLY COPY).

The authoritative reference and input builder live on the scoring server;
editing this copy changes nothing except your own understanding.
"""

import jax, jax.numpy as jnp
import numpy as np

X_POS = 100
Y_POS = 100
Z_POS = 50
XY_RANGE = 1
Z_RANGE = 7
Z_OFFSET = 2
D_MODEL = 2048
TOP_K = 2
N_TOKENS = 4096
TOTAL_CONN = (2 * XY_RANGE + 1) ** 2 * (Z_RANGE + 1)  # 72


def _neuron_connections():
    # Faithful to torch.cartesian_prod(x_range, y_range, z_range)
    xs = np.arange(X_POS - XY_RANGE, X_POS + XY_RANGE + 1)
    ys = np.arange(Y_POS - XY_RANGE, Y_POS + XY_RANGE + 1)
    zs = np.arange(Z_POS - Z_OFFSET, Z_POS + Z_RANGE - Z_OFFSET + 1)
    grid = np.stack(np.meshgrid(xs, ys, zs, indexing='ij'), axis=-1).reshape(-1, 3)
    return jnp.asarray(grid, dtype=jnp.int32)


def setup_inputs(seed: int = 0) -> dict:
    key = jax.random.key(seed)
    k1, k2 = jax.random.split(key)
    x = jax.random.normal(k1, (N_TOKENS, D_MODEL), dtype=jnp.float32)
    W_router = jax.random.normal(k2, (D_MODEL, TOTAL_CONN), dtype=jnp.float32) * 0.02
    return {"input": x, "W_router": W_router, "neuron_connections": _neuron_connections()}


def reference(input, W_router, neuron_connections):
    # router.compute_logit_scores: linear projection of tokens to connection logits
    logits = input @ W_router  # [T, TOTAL_CONN]
    # sampler.sample_probabilities_and_indices: softmax + top-k
    probs = jax.nn.softmax(logits, axis=-1)
    top_probs, top_idx = jax.lax.top_k(probs, TOP_K)  # [T, K], [T, K]
    # gather selected neuron coordinates: neuron_connections[indices]
    selected_neurons = jnp.take(neuron_connections, top_idx, axis=0)  # [T, K, 3]
    return (input, top_probs, selected_neurons)

if __name__ == "__main__":
    import jax
    _d = setup_inputs()
    print(jax.jit(kernel)(*tuple(_d.values())))

</pallas_src>

<mosaic_0001>
#map = affine_map<(d0, d1) -> (0, 0)>
#map1 = affine_map<(d0, d1) -> (0)>
#map2 = affine_map<(d0, d1) -> (0, 0, 0)>
module attributes {stable_mosaic.version = 14 : i64} {
  func.func @_route_body(%arg0: i32, %arg1: i32, %arg2: memref<4096x128xf32, #tpu.memory_space<hbm>>, %arg3: memref<288xi32, #tpu.memory_space<hbm>>, %arg4: memref<4096x2xf32, #tpu.memory_space<hbm>>, %arg5: memref<4096x2x3xi32, #tpu.memory_space<hbm>>, %arg6: memref<64x128xf32, #tpu.memory_space<vmem>>, %arg7: memref<64x128xf32, #tpu.memory_space<vmem>>, %arg8: memref<288xi32, #tpu.memory_space<vmem>>, %arg9: memref<128x2xf32, #tpu.memory_space<vmem>>, %arg10: memref<128x2x3xi32, #tpu.memory_space<vmem>>, %arg11: memref<!tpu.dma_semaphore, #tpu.memory_space<semaphore_mem>>, %arg12: memref<!tpu.dma_semaphore, #tpu.memory_space<semaphore_mem>>) attributes {dimension_semantics = [#tpu.dimension_semantics<core_parallel>, #tpu.dimension_semantics<subcore_parallel>], iteration_bounds = array<i64: 2, 16>, scalar_prefetch = 0 : i64, scratch_operands = 7 : i64, tpu.core_type = #tpu.core_type<sc_vector_subcore>, window_params = [{transform_indices = #map}, {transform_indices = #map1}, {transform_indices = #map}, {transform_indices = #map2}]} {
    %mul3A = arith.constant 2 : i32
    %mul3A_0 = arith.muli %arg1, %mul3A : i32
    %add3A = arith.addi %mul3A_0, %arg0 : i32
    %mul3A_1 = arith.constant 128 : i32
    %mul3A_2 = arith.muli %add3A, %mul3A_1 : i32
    %dma_start3A = arith.constant 0 : i32
    %dma_start3A_3 = tpu.memref_slice %arg2[%mul3A_2, %dma_start3A] : memref<4096x128xf32, #tpu.memory_space<hbm>> -> memref<64x128xf32, #tpu.memory_space<hbm>>
    %dma_start3A_4 = arith.constant 0 : i32
    %dma_start3A_5 = tpu.memref_slice %arg2[%mul3A_2, %dma_start3A_4] : memref<4096x128xf32, #tpu.memory_space<hbm>> -> memref<64x128xf32, #tpu.memory_space<hbm>>
    tpu.enqueue_dma source(%dma_start3A_5 : memref<64x128xf32, #tpu.memory_space<hbm>>) target(%arg6 : memref<64x128xf32, #tpu.memory_space<vmem>>) target_semaphore(%arg11 : memref<!tpu.dma_semaphore, #tpu.memory_space<semaphore_mem>>)
    %add3A_6 = arith.constant 64 : i32
    %add3A_7 = arith.addi %mul3A_2, %add3A_6 : i32
    %dma_start3A_8 = arith.constant 0 : i32
    %dma_start3A_9 = tpu.memref_slice %arg2[%add3A_7, %dma_start3A_8] : memref<4096x128xf32, #tpu.memory_space<hbm>> -> memref<64x128xf32, #tpu.memory_space<hbm>>
    %dma_start3A_10 = arith.constant 0 : i32
    %dma_start3A_11 = tpu.memref_slice %arg2[%add3A_7, %dma_start3A_10] : memref<4096x128xf32, #tpu.memory_space<hbm>> -> memref<64x128xf32, #tpu.memory_space<hbm>>
    tpu.enqueue_dma source(%dma_start3A_11 : memref<64x128xf32, #tpu.memory_space<hbm>>) target(%arg7 : memref<64x128xf32, #tpu.memory_space<vmem>>) target_semaphore(%arg12 : memref<!tpu.dma_semaphore, #tpu.memory_space<semaphore_mem>>)
    "tpu.region"() ({
      %run_scoped3A = tpu.sem_alloc : memref<!tpu.dma_semaphore, #tpu.memory_space<semaphore_mem>>
      tpu.enqueue_dma source(%arg3 : memref<288xi32, #tpu.memory_space<hbm>>) target(%arg8 : memref<288xi32, #tpu.memory_space<vmem>>) target_semaphore(%run_scoped3A : memref<!tpu.dma_semaphore, #tpu.memory_space<semaphore_mem>>)
      tpu.wait_dma2 semaphore(%run_scoped3A : memref<!tpu.dma_semaphore, #tpu.memory_space<semaphore_mem>>) src(%arg3 : memref<288xi32, #tpu.memory_space<hbm>>) dst(%arg8 : memref<288xi32, #tpu.memory_space<vmem>>)
      tpu.yield
    }) : () -> ()
    %iota3A = tpu.iota {dimensions = array<i32: 0>} : vector<16xi32>
    %broadcast_in_dim3A = arith.constant 0 : i32
    %broadcast_in_dim3A_12 = vector.broadcast %broadcast_in_dim3A : i32 to vector<16xi32>
    %dma_wait3A = arith.constant 0 : i32
    %dma_wait3A_13 = tpu.memref_slice %arg2[%mul3A_2, %dma_wait3A] : memref<4096x128xf32, #tpu.memory_space<hbm>> -> memref<64x128xf32, #tpu.memory_space<hbm>>
    %dma_wait3A_14 = arith.constant 0 : i32
    %dma_wait3A_15 = tpu.memref_slice %arg2[%mul3A_2, %dma_wait3A_14] : memref<4096x128xf32, #tpu.memory_space<hbm>> -> memref<64x128xf32, #tpu.memory_space<hbm>>
    tpu.wait_dma2 semaphore(%arg11 : memref<!tpu.dma_semaphore, #tpu.memory_space<semaphore_mem>>) src(%dma_wait3A_15 : memref<64x128xf32, #tpu.memory_space<hbm>>) dst(%arg6 : memref<64x128xf32, #tpu.memory_space<vmem>>)
    %add3A_16 = arith.constant 0 : i32
    %add3A_17 = vector.broadcast %add3A_16 : i32 to vector<16xi32>
    %add3A_18 = arith.addi %add3A_17, %iota3A : vector<16xi32>
    %add3A_19 = arith.constant 16 : i32
    %add3A_20 = vector.broadcast %add3A_19 : i32 to vector<16xi32>
    %add3A_21 = arith.addi %add3A_20, %iota3A : vector<16xi32>
    %add3A_22 = arith.constant 32 : i32
    %add3A_23 = vector.broadcast %add3A_22 : i32 to vector<16xi32>
    %add3A_24 = arith.addi %add3A_23, %iota3A : vector<16xi32>
    %add3A_25 = arith.constant 48 : i32
    %add3A_26 = vector.broadcast %add3A_25 : i32 to vector<16xi32>
    %add3A_27 = arith.addi %add3A_26, %iota3A : vector<16xi32>
    %add3A_28 = arith.constant 0 : i32
    %add3A_29 = vector.broadcast %add3A_28 : i32 to vector<16xi32>
    %add3A_30 = arith.addi %add3A_29, %add3A_18 : vector<16xi32>
    %add3A_31 = arith.constant 0 : i32
    %add3A_32 = vector.broadcast %add3A_31 : i32 to vector<16xi32>
    %add3A_33 = arith.addi %add3A_32, %add3A_21 : vector<16xi32>
    %add3A_34 = arith.constant 0 : i32
    %add3A_35 = vector.broadcast %add3A_34 : i32 to vector<16xi32>
    %add3A_36 = arith.addi %add3A_35, %add3A_24 : vector<16xi32>
    %add3A_37 = arith.constant 0 : i32
    %add3A_38 = vector.broadcast %add3A_37 : i32 to vector<16xi32>
    %add3A_39 = arith.addi %add3A_38, %add3A_27 : vector<16xi32>
    %broadcast_in_dim3A_40 = arith.constant -1.000000e+30 : f32
    %broadcast_in_dim3A_41 = vector.broadcast %broadcast_in_dim3A_40 : f32 to vector<16xf32>
    %broadcast_in_dim3A_42 = arith.constant 0.000000e+00 : f32
    %broadcast_in_dim3A_43 = vector.broadcast %broadcast_in_dim3A_42 : f32 to vector<16xf32>
    %scan3A = arith.constant 0 : i32
    %scan3A_44 = arith.constant 72 : i32
    %scan3A_45 = arith.addi %scan3A, %scan3A_44 : i32
    %scan3A_46 = arith.constant 1 : i32
    %scan3A_47:20 = scf.for %scan3A_707 = %scan3A to %scan3A_45 step %scan3A_46 iter_args(%scan3A_708 = %broadcast_in_dim3A_41, %scan3A_709 = %broadcast_in_dim3A_12, %scan3A_710 = %broadcast_in_dim3A_41, %scan3A_711 = %broadcast_in_dim3A_12, %scan3A_712 = %broadcast_in_dim3A_43, %scan3A_713 = %broadcast_in_dim3A_41, %scan3A_714 = %broadcast_in_dim3A_12, %scan3A_715 = %broadcast_in_dim3A_41, %scan3A_716 = %broadcast_in_dim3A_12, %scan3A_717 = %broadcast_in_dim3A_43, %scan3A_718 = %broadcast_in_dim3A_41, %scan3A_719 = %broadcast_in_dim3A_12, %scan3A_720 = %broadcast_in_dim3A_41, %scan3A_721 = %broadcast_in_dim3A_12, %scan3A_722 = %broadcast_in_dim3A_43, %scan3A_723 = %broadcast_in_dim3A_41, %scan3A_724 = %broadcast_in_dim3A_12, %scan3A_725 = %broadcast_in_dim3A_41, %scan3A_726 = %broadcast_in_dim3A_12, %scan3A_727 = %broadcast_in_dim3A_43) -> (vector<16xf32>, vector<16xi32>, vector<16xf32>, vector<16xi32>, vector<16xf32>, vector<16xf32>, vector<16xi32>, vector<16xf32>, vector<16xi32>, vector<16xf32>, vector<16xf32>, vector<16xi32>, vector<16xf32>, vector<16xi32>, vector<16xf32>, vector<16xf32>, vector<16xi32>, vector<16xf32>, vector<16xi32>, vector<16xf32>)  : i32 {
      %add3A_728 = vector.broadcast %scan3A_707 : i32 to vector<16xi32>
      %add3A_729 = arith.addi %broadcast_in_dim3A_12, %add3A_728 : vector<16xi32>
      %gather3A_730 = tpu.vector_load_idx %arg6[%add3A_18, %add3A_729] : memref<64x128xf32, #tpu.memory_space<vmem>>[vector<16xi32>, vector<16xi32>], vector<16xf32>,
      %gt3A = arith.cmpf ogt, %gather3A_730, %scan3A_708 : vector<16xf32>
      %min3A = arith.minimumf %gather3A_730, %scan3A_708 : vector<16xf32>
      %max3A = arith.maximumf %gather3A_730, %scan3A_708 : vector<16xf32>
      %gt3A_731 = arith.cmpf ogt, %min3A, %scan3A_710 : vector<16xf32>
      %max3A_732 = arith.maximumf %min3A, %scan3A_710 : vector<16xf32>
      %select_n3A = arith.select %gt3A, %add3A_729, %scan3A_709 : vector<16xi1>, vector<16xi32>
      %select_n3A_733 = arith.select %gt3A, %scan3A_709, %add3A_729 : vector<16xi1>, vector<16xi32>
      %select_n3A_734 = arith.select %gt3A_731, %select_n3A_733, %scan3A_711 : vector<16xi1>, vector<16xi32>
      %sub3A_735 = arith.subf %scan3A_708, %max3A : vector<16xf32>
      %exp3A_736 = math.exp %sub3A_735 : vector<16xf32>
      %mul3A_737 = arith.mulf %scan3A_712, %exp3A_736 : vector<16xf32>
      %sub3A_738 = arith.subf %gather3A_730, %max3A : vector<16xf32>
      %exp3A_739 = math.exp %sub3A_738 : vector<16xf32>
      %add3A_740 = arith.addf %mul3A_737, %exp3A_739 : vector<16xf32>
      %gather3A_741 = tpu.vector_load_idx %arg6[%add3A_21, %add3A_729] : memref<64x128xf32, #tpu.memory_space<vmem>>[vector<16xi32>, vector<16xi32>], vector<16xf32>,
      %gt3A_742 = arith.cmpf ogt, %gather3A_741, %scan3A_713 : vector<16xf32>
      %min3A_743 = arith.minimumf %gather3A_741, %scan3A_713 : vector<16xf32>
      %max3A_744 = arith.maximumf %gather3A_741, %scan3A_713 : vector<16xf32>
      %gt3A_745 = arith.cmpf ogt, %min3A_743, %scan3A_715 : vector<16xf32>
      %max3A_746 = arith.maximumf %min3A_743, %scan3A_715 : vector<16xf32>
      %select_n3A_747 = arith.select %gt3A_742, %add3A_729, %scan3A_714 : vector<16xi1>, vector<16xi32>
      %select_n3A_748 = arith.select %gt3A_742, %scan3A_714, %add3A_729 : vector<16xi1>, vector<16xi32>
      %select_n3A_749 = arith.select %gt3A_745, %select_n3A_748, %scan3A_716 : vector<16xi1>, vector<16xi32>
      %sub3A_750 = arith.subf %scan3A_713, %max3A_744 : vector<16xf32>
      %exp3A_751 = math.exp %sub3A_750 : vector<16xf32>
      %mul3A_752 = arith.mulf %scan3A_717, %exp3A_751 : vector<16xf32>
      %sub3A_753 = arith.subf %gather3A_741, %max3A_744 : vector<16xf32>
      %exp3A_754 = math.exp %sub3A_753 : vector<16xf32>
      %add3A_755 = arith.addf %mul3A_752, %exp3A_754 : vector<16xf32>
      %gather3A_756 = tpu.vector_load_idx %arg6[%add3A_24, %add3A_729] : memref<64x128xf32, #tpu.memory_space<vmem>>[vector<16xi32>, vector<16xi32>], vector<16xf32>,
      %gt3A_757 = arith.cmpf ogt, %gather3A_756, %scan3A_718 : vector<16xf32>
      %min3A_758 = arith.minimumf %gather3A_756, %scan3A_718 : vector<16xf32>
      %max3A_759 = arith.maximumf %gather3A_756, %scan3A_718 : vector<16xf32>
      %gt3A_760 = arith.cmpf ogt, %min3A_758, %scan3A_720 : vector<16xf32>
      %max3A_761 = arith.maximumf %min3A_758, %scan3A_720 : vector<16xf32>
      %select_n3A_762 = arith.select %gt3A_757, %add3A_729, %scan3A_719 : vector<16xi1>, vector<16xi32>
      %select_n3A_763 = arith.select %gt3A_757, %scan3A_719, %add3A_729 : vector<16xi1>, vector<16xi32>
      %select_n3A_764 = arith.select %gt3A_760, %select_n3A_763, %scan3A_721 : vector<16xi1>, vector<16xi32>
      %sub3A_765 = arith.subf %scan3A_718, %max3A_759 : vector<16xf32>
      %exp3A_766 = math.exp %sub3A_765 : vector<16xf32>
      %mul3A_767 = arith.mulf %scan3A_722, %exp3A_766 : vector<16xf32>
      %sub3A_768 = arith.subf %gather3A_756, %max3A_759 : vector<16xf32>
      %exp3A_769 = math.exp %sub3A_768 : vector<16xf32>
      %add3A_770 = arith.addf %mul3A_767, %exp3A_769 : vector<16xf32>
      %gather3A_771 = tpu.vector_load_idx %arg6[%add3A_27, %add3A_729] : memref<64x128xf32, #tpu.memory_space<vmem>>[vector<16xi32>, vector<16xi32>], vector<16xf32>,
      %gt3A_772 = arith.cmpf ogt, %gather3A_771, %scan3A_723 : vector<16xf32>
      %min3A_773 = arith.minimumf %gather3A_771, %scan3A_723 : vector<16xf32>
      %max3A_774 = arith.maximumf %gather3A_771, %scan3A_723 : vector<16xf32>
      %gt3A_775 = arith.cmpf ogt, %min3A_773, %scan3A_725 : vector<16xf32>
      %max3A_776 = arith.maximumf %min3A_773, %scan3A_725 : vector<16xf32>
      %select_n3A_777 = arith.select %gt3A_772, %add3A_729, %scan3A_724 : vector<16xi1>, vector<16xi32>
      %select_n3A_778 = arith.select %gt3A_772, %scan3A_724, %add3A_729 : vector<16xi1>, vector<16xi32>
      %select_n3A_779 = arith.select %gt3A_775, %select_n3A_778, %scan3A_726 : vector<16xi1>, vector<16xi32>
      %sub3A_780 = arith.subf %scan3A_723, %max3A_774 : vector<16xf32>
      %exp3A_781 = math.exp %sub3A_780 : vector<16xf32>
      %mul3A_782 = arith.mulf %scan3A_727, %exp3A_781 : vector<16xf32>
      %sub3A_783 = arith.subf %gather3A_771, %max3A_774 : vector<16xf32>
      %exp3A_784 = math.exp %sub3A_783 : vector<16xf32>
      %add3A_785 = arith.addf %mul3A_782, %exp3A_784 : vector<16xf32>
      scf.yield %max3A, %select_n3A, %max3A_732, %select_n3A_734, %add3A_740, %max3A_744, %select_n3A_747, %max3A_746, %select_n3A_749, %add3A_755, %max3A_759, %select_n3A_762, %max3A_761, %select_n3A_764, %add3A_770, %max3A_774, %select_n3A_777, %max3A_776, %select_n3A_779, %add3A_785 : vector<16xf32>, vector<16xi32>, vector<16xf32>, vector<16xi32>, vector<16xf32>, vector<16xf32>, vector<16xi32>, vector<16xf32>, vector<16xi32>, vector<16xf32>, vector<16xf32>, vector<16xi32>, vector<16xf32>, vector<16xi32>, vector<16xf32>, vector<16xf32>, vector<16xi32>, vector<16xf32>, vector<16xi32>, vector<16xf32>
    }
    %scan3A_48 = arith.constant 72 : i32
    %div3A = arith.constant 1.000000e+00 : f32
    %div3A_49 = vector.broadcast %div3A : f32 to vector<16xf32>
    %div3A_50 = arith.divf %div3A_49, %scan3A_47#4 : vector<16xf32>
    %sub3A = arith.subf %scan3A_47#2, %scan3A_47#0 : vector<16xf32>
    %exp3A = math.exp %sub3A : vector<16xf32>
    %mul3A_51 = arith.mulf %exp3A, %div3A_50 : vector<16xf32>
    tpu.vector_store_idx %arg9[%add3A_30, %broadcast_in_dim3A_12], %div3A_50 : memref<128x2xf32, #tpu.memory_space<vmem>>[vector<16xi32>, vector<16xi32>], vector<16xf32>,
    %add3A_52 = arith.constant 1 : i32
    %add3A_53 = vector.broadcast %add3A_52 : i32 to vector<16xi32>
    %add3A_54 = arith.addi %broadcast_in_dim3A_12, %add3A_53 : vector<16xi32>
    tpu.vector_store_idx %arg9[%add3A_30, %add3A_54], %mul3A_51 : memref<128x2xf32, #tpu.memory_space<vmem>>[vector<16xi32>, vector<16xi32>], vector<16xf32>,
    %mul3A_55 = arith.constant 4 : i32
    %mul3A_56 = vector.broadcast %mul3A_55 : i32 to vector<16xi32>
    %mul3A_57 = arith.muli %scan3A_47#1, %mul3A_56 : vector<16xi32>
    %add3A_58 = arith.constant 0 : i32
    %add3A_59 = vector.broadcast %add3A_58 : i32 to vector<16xi32>
    %add3A_60 = arith.addi %mul3A_57, %add3A_59 : vector<16xi32>
    %gather3A = tpu.vector_load_idx %arg8[%add3A_60] : memref<288xi32, #tpu.memory_space<vmem>>[vector<16xi32>], vector<16xi32>,
    %mul3A_61 = arith.constant 4 : i32
    %mul3A_62 = vector.broadcast %mul3A_61 : i32 to vector<16xi32>
    %mul3A_63 = arith.muli %scan3A_47#3, %mul3A_62 : vector<16xi32>
    %add3A_64 = arith.constant 0 : i32
    %add3A_65 = vector.broadcast %add3A_64 : i32 to vector<16xi32>
    %add3A_66 = arith.addi %mul3A_63, %add3A_65 : vector<16xi32>
    %gather3A_67 = tpu.vector_load_idx %arg8[%add3A_66] : memref<288xi32, #tpu.memory_space<vmem>>[vector<16xi32>], vector<16xi32>,
    %add3A_68 = arith.constant 0 : i32
    %add3A_69 = vector.broadcast %add3A_68 : i32 to vector<16xi32>
    %add3A_70 = arith.addi %broadcast_in_dim3A_12, %add3A_69 : vector<16xi32>
    tpu.vector_store_idx %arg10[%add3A_30, %broadcast_in_dim3A_12, %add3A_70], %gather3A : memref<128x2x3xi32, #tpu.memory_space<vmem>>[vector<16xi32>, vector<16xi32>, vector<16xi32>], vector<16xi32>,
    %add3A_71 = arith.constant 1 : i32
    %add3A_72 = vector.broadcast %add3A_71 : i32 to vector<16xi32>
    %add3A_73 = arith.addi %broadcast_in_dim3A_12, %add3A_72 : vector<16xi32>
    %add3A_74 = arith.constant 0 : i32
    %add3A_75 = vector.broadcast %add3A_74 : i32 to vector<16xi32>
    %add3A_76 = arith.addi %broadcast_in_dim3A_12, %add3A_75 : vector<16xi32>
    tpu.vector_store_idx %arg10[%add3A_30, %add3A_73, %add3A_76], %gather3A_67 : memref<128x2x3xi32, #tpu.memory_space<vmem>>[vector<16xi32>, vector<16xi32>, vector<16xi32>], vector<16xi32>,
    %mul3A_77 = arith.constant 4 : i32
    %mul3A_78 = vector.broadcast %mul3A_77 : i32 to vector<16xi32>
    %mul3A_79 = arith.muli %scan3A_47#1, %mul3A_78 : vector<16xi32>
    %add3A_80 = arith.constant 1 : i32
    %add3A_81 = vector.broadcast %add3A_80 : i32 to vector<16xi32>
    %add3A_82 = arith.addi %mul3A_79, %add3A_81 : vector<16xi32>
    %gather3A_83 = tpu.vector_load_idx %arg8[%add3A_82] : memref<288xi32, #tpu.memory_space<vmem>>[vector<16xi32>], vector<16xi32>,
    %mul3A_84 = arith.constant 4 : i32
    %mul3A_85 = vector.broadcast %mul3A_84 : i32 to vector<16xi32>
    %mul3A_86 = arith.muli %scan3A_47#3, %mul3A_85 : vector<16xi32>
    %add3A_87 = arith.constant 1 : i32
    %add3A_88 = vector.broadcast %add3A_87 : i32 to vector<16xi32>
    %add3A_89 = arith.addi %mul3A_86, %add3A_88 : vector<16xi32>
    %gather3A_90 = tpu.vector_load_idx %arg8[%add3A_89] : memref<288xi32, #tpu.memory_space<vmem>>[vector<16xi32>], vector<16xi32>,
    %add3A_91 = arith.constant 1 : i32
    %add3A_92 = vector.broadcast %add3A_91 : i32 to vector<16xi32>
    %add3A_93 = arith.addi %broadcast_in_dim3A_12, %add3A_92 : vector<16xi32>
    tpu.vector_store_idx %arg10[%add3A_30, %broadcast_in_dim3A_12, %add3A_93], %gather3A_83 : memref<128x2x3xi32, #tpu.memory_space<vmem>>[vector<16xi32>, vector<16xi32>, vector<16xi32>], vector<16xi32>,
    %add3A_94 = arith.constant 1 : i32
    %add3A_95 = vector.broadcast %add3A_94 : i32 to vector<16xi32>
    %add3A_96 = arith.addi %broadcast_in_dim3A_12, %add3A_95 : vector<16xi32>
    %add3A_97 = arith.constant 1 : i32
    %add3A_98 = vector.broadcast %add3A_97 : i32 to vector<16xi32>
    %add3A_99 = arith.addi %broadcast_in_dim3A_12, %add3A_98 : vector<16xi32>
    tpu.vector_store_idx %arg10[%add3A_30, %add3A_96, %add3A_99], %gather3A_90 : memref<128x2x3xi32, #tpu.memory_space<vmem>>[vector<16xi32>, vector<16xi32>, vector<16xi32>], vector<16xi32>,
    %mul3A_100 = arith.constant 4 : i32
    %mul3A_101 = vector.broadcast %mul3A_100 : i32 to vector<16xi32>
    %mul3A_102 = arith.muli %scan3A_47#1, %mul3A_101 : vector<16xi32>
    %add3A_103 = arith.constant 2 : i32
    %add3A_104 = vector.broadcast %add3A_103 : i32 to vector<16xi32>
    %add3A_105 = arith.addi %mul3A_102, %add3A_104 : vector<16xi32>
    %gather3A_106 = tpu.vector_load_idx %arg8[%add3A_105] : memref<288xi32, #tpu.memory_space<vmem>>[vector<16xi32>], vector<16xi32>,
    %mul3A_107 = arith.constant 4 : i32
    %mul3A_108 = vector.broadcast %mul3A_107 : i32 to vector<16xi32>
    %mul3A_109 = arith.muli %scan3A_47#3, %mul3A_108 : vector<16xi32>
    %add3A_110 = arith.constant 2 : i32
    %add3A_111 = vector.broadcast %add3A_110 : i32 to vector<16xi32>
    %add3A_112 = arith.addi %mul3A_109, %add3A_111 : vector<16xi32>
    %gather3A_113 = tpu.vector_load_idx %arg8[%add3A_112] : memref<288xi32, #tpu.memory_space<vmem>>[vector<16xi32>], vector<16xi32>,
    %add3A_114 = arith.constant 2 : i32
    %add3A_115 = vector.broadcast %add3A_114 : i32 to vector<16xi32>
    %add3A_116 = arith.addi %broadcast_in_dim3A_12, %add3A_115 : vector<16xi32>
    tpu.vector_store_idx %arg10[%add3A_30, %broadcast_in_dim3A_12, %add3A_116], %gather3A_106 : memref<128x2x3xi32, #tpu.memory_space<vmem>>[vector<16xi32>, vector<16xi32>, vector<16xi32>], vector<16xi32>,
    %add3A_117 = arith.constant 1 : i32
    %add3A_118 = vector.broadcast %add3A_117 : i32 to vector<16xi32>
    %add3A_119 = arith.addi %broadcast_in_dim3A_12, %add3A_118 : vector<16xi32>
    %add3A_120 = arith.constant 2 : i32
    %add3A_121 = vector.broadcast %add3A_120 : i32 to vector<16xi32>
    %add3A_122 = arith.addi %broadcast_in_dim3A_12, %add3A_121 : vector<16xi32>
    tpu.vector_store_idx %arg10[%add3A_30, %add3A_119, %add3A_122], %gather3A_113 : memref<128x2x3xi32, #tpu.memory_space<vmem>>[vector<16xi32>, vector<16xi32>, vector<16xi32>], vector<16xi32>,
    %div3A_123 = arith.constant 1.000000e+00 : f32
    %div3A_124 = vector.broadcast %div3A_123 : f32 to vector<16xf32>
    %div3A_125 = arith.divf %div3A_124, %scan3A_47#9 : vector<16xf32>
    %sub3A_126 = arith.subf %scan3A_47#7, %scan3A_47#5 : vector<16xf32>
    %exp3A_127 = math.exp %sub3A_126 : vector<16xf32>
    %mul3A_128 = arith.mulf %exp3A_127, %div3A_125 : vector<16xf32>
    tpu.vector_store_idx %arg9[%add3A_33, %broadcast_in_dim3A_12], %div3A_125 : memref<128x2xf32, #tpu.memory_space<vmem>>[vector<16xi32>, vector<16xi32>], vector<16xf32>,
    %add3A_129 = arith.constant 1 : i32
    %add3A_130 = vector.broadcast %add3A_129 : i32 to vector<16xi32>
    %add3A_131 = arith.addi %broadcast_in_dim3A_12, %add3A_130 : vector<16xi32>
    tpu.vector_store_idx %arg9[%add3A_33, %add3A_131], %mul3A_128 : memref<128x2xf32, #tpu.memory_space<vmem>>[vector<16xi32>, vector<16xi32>], vector<16xf32>,
    %mul3A_132 = arith.constant 4 : i32
    %mul3A_133 = vector.broadcast %mul3A_132 : i32 to vector<16xi32>
    %mul3A_134 = arith.muli %scan3A_47#6, %mul3A_133 : vector<16xi32>
    %add3A_135 = arith.constant 0 : i32
    %add3A_136 = vector.broadcast %add3A_135 : i32 to vector<16xi32>
    %add3A_137 = arith.addi %mul3A_134, %add3A_136 : vector<16xi32>
    %gather3A_138 = tpu.vector_load_idx %arg8[%add3A_137] : memref<288xi32, #tpu.memory_space<vmem>>[vector<16xi32>], vector<16xi32>,
    %mul3A_139 = arith.constant 4 : i32
    %mul3A_140 = vector.broadcast %mul3A_139 : i32 to vector<16xi32>
    %mul3A_141 = arith.muli %scan3A_47#8, %mul3A_140 : vector<16xi32>
    %add3A_142 = arith.constant 0 : i32
    %add3A_143 = vector.broadcast %add3A_142 : i32 to vector<16xi32>
    %add3A_144 = arith.addi %mul3A_141, %add3A_143 : vector<16xi32>
    %gather3A_145 = tpu.vector_load_idx %arg8[%add3A_144] : memref<288xi32, #tpu.memory_space<vmem>>[vector<16xi32>], vector<16xi32>,
    %add3A_146 = arith.constant 0 : i32
    %add3A_147 = vector.broadcast %add3A_146 : i32 to vector<16xi32>
    %add3A_148 = arith.addi %broadcast_in_dim3A_12, %add3A_147 : vector<16xi32>
    tpu.vector_store_idx %arg10[%add3A_33, %broadcast_in_dim3A_12, %add3A_148], %gather3A_138 : memref<128x2x3xi32, #tpu.memory_space<vmem>>[vector<16xi32>, vector<16xi32>, vector<16xi32>], vector<16xi32>,
    %add3A_149 = arith.constant 1 : i32
    %add3A_150 = vector.broadcast %add3A_149 : i32 to vector<16xi32>
    %add3A_151 = arith.addi %broadcast_in_dim3A_12, %add3A_150 : vector<16xi32>
    %add3A_152 = arith.constant 0 : i32
    %add3A_153 = vector.broadcast %add3A_152 : i32 to vector<16xi32>
    %add3A_154 = arith.addi %broadcast_in_dim3A_12, %add3A_153 : vector<16xi32>
    tpu.vector_store_idx %arg10[%add3A_33, %add3A_151, %add3A_154], %gather3A_145 : memref<128x2x3xi32, #tpu.memory_space<vmem>>[vector<16xi32>, vector<16xi32>, vector<16xi32>], vector<16xi32>,
    %mul3A_155 = arith.constant 4 : i32
    %mul3A_156 = vector.broadcast %mul3A_155 : i32 to vector<16xi32>
    %mul3A_157 = arith.muli %scan3A_47#6, %mul3A_156 : vector<16xi32>
    %add3A_158 = arith.constant 1 : i32
    %add3A_159 = vector.broadcast %add3A_158 : i32 to vector<16xi32>
    %add3A_160 = arith.addi %mul3A_157, %add3A_159 : vector<16xi32>
    %gather3A_161 = tpu.vector_load_idx %arg8[%add3A_160] : memref<288xi32, #tpu.memory_space<vmem>>[vector<16xi32>], vector<16xi32>,
    %mul3A_162 = arith.constant 4 : i32
    %mul3A_163 = vector.broadcast %mul3A_162 : i32 to vector<16xi32>
    %mul3A_164 = arith.muli %scan3A_47#8, %mul3A_163 : vector<16xi32>
    %add3A_165 = arith.constant 1 : i32
    %add3A_166 = vector.broadcast %add3A_165 : i32 to vector<16xi32>
    %add3A_167 = arith.addi %mul3A_164, %add3A_166 : vector<16xi32>
    %gather3A_168 = tpu.vector_load_idx %arg8[%add3A_167] : memref<288xi32, #tpu.memory_space<vmem>>[vector<16xi32>], vector<16xi32>,
    %add3A_169 = arith.constant 1 : i32
    %add3A_170 = vector.broadcast %add3A_169 : i32 to vector<16xi32>
    %add3A_171 = arith.addi %broadcast_in_dim3A_12, %add3A_170 : vector<16xi32>
    tpu.vector_store_idx %arg10[%add3A_33, %broadcast_in_dim3A_12, %add3A_171], %gather3A_161 : memref<128x2x3xi32, #tpu.memory_space<vmem>>[vector<16xi32>, vector<16xi32>, vector<16xi32>], vector<16xi32>,
    %add3A_172 = arith.constant 1 : i32
    %add3A_173 = vector.broadcast %add3A_172 : i32 to vector<16xi32>
    %add3A_174 = arith.addi %broadcast_in_dim3A_12, %add3A_173 : vector<16xi32>
    %add3A_175 = arith.constant 1 : i32
    %add3A_176 = vector.broadcast %add3A_175 : i32 to vector<16xi32>
    %add3A_177 = arith.addi %broadcast_in_dim3A_12, %add3A_176 : vector<16xi32>
    tpu.vector_store_idx %arg10[%add3A_33, %add3A_174, %add3A_177], %gather3A_168 : memref<128x2x3xi32, #tpu.memory_space<vmem>>[vector<16xi32>, vector<16xi32>, vector<16xi32>], vector<16xi32>,
    %mul3A_178 = arith.constant 4 : i32
    %mul3A_179 = vector.broadcast %mul3A_178 : i32 to vector<16xi32>
    %mul3A_180 = arith.muli %scan3A_47#6, %mul3A_179 : vector<16xi32>
    %add3A_181 = arith.constant 2 : i32
    %add3A_182 = vector.broadcast %add3A_181 : i32 to vector<16xi32>
    %add3A_183 = arith.addi %mul3A_180, %add3A_182 : vector<16xi32>
    %gather3A_184 = tpu.vector_load_idx %arg8[%add3A_183] : memref<288xi32, #tpu.memory_space<vmem>>[vector<16xi32>], vector<16xi32>,
    %mul3A_185 = arith.constant 4 : i32
    %mul3A_186 = vector.broadcast %mul3A_185 : i32 to vector<16xi32>
    %mul3A_187 = arith.muli %scan3A_47#8, %mul3A_186 : vector<16xi32>
    %add3A_188 = arith.constant 2 : i32
    %add3A_189 = vector.broadcast %add3A_188 : i32 to vector<16xi32>
    %add3A_190 = arith.addi %mul3A_187, %add3A_189 : vector<16xi32>
    %gather3A_191 = tpu.vector_load_idx %arg8[%add3A_190] : memref<288xi32, #tpu.memory_space<vmem>>[vector<16xi32>], vector<16xi32>,
    %add3A_192 = arith.constant 2 : i32
    %add3A_193 = vector.broadcast %add3A_192 : i32 to vector<16xi32>
    %add3A_194 = arith.addi %broadcast_in_dim3A_12, %add3A_193 : vector<16xi32>
    tpu.vector_store_idx %arg10[%add3A_33, %broadcast_in_dim3A_12, %add3A_194], %gather3A_184 : memref<128x2x3xi32, #tpu.memory_space<vmem>>[vector<16xi32>, vector<16xi32>, vector<16xi32>], vector<16xi32>,
    %add3A_195 = arith.constant 1 : i32
    %add3A_196 = vector.broadcast %add3A_195 : i32 to vector<16xi32>
    %add3A_197 = arith.addi %broadcast_in_dim3A_12, %add3A_196 : vector<16xi32>
    %add3A_198 = arith.constant 2 : i32
    %add3A_199 = vector.broadcast %add3A_198 : i32 to vector<16xi32>
    %add3A_200 = arith.addi %broadcast_in_dim3A_12, %add3A_199 : vector<16xi32>
    tpu.vector_store_idx %arg10[%add3A_33, %add3A_197, %add3A_200], %gather3A_191 : memref<128x2x3xi32, #tpu.memory_space<vmem>>[vector<16xi32>, vector<16xi32>, vector<16xi32>], vector<16xi32>,
    %div3A_201 = arith.constant 1.000000e+00 : f32
    %div3A_202 = vector.broadcast %div3A_201 : f32 to vector<16xf32>
    %div3A_203 = arith.divf %div3A_202, %scan3A_47#14 : vector<16xf32>
    %sub3A_204 = arith.subf %scan3A_47#12, %scan3A_47#10 : vector<16xf32>
    %exp3A_205 = math.exp %sub3A_204 : vector<16xf32>
    %mul3A_206 = arith.mulf %exp3A_205, %div3A_203 : vector<16xf32>
    tpu.vector_store_idx %arg9[%add3A_36, %broadcast_in_dim3A_12], %div3A_203 : memref<128x2xf32, #tpu.memory_space<vmem>>[vector<16xi32>, vector<16xi32>], vector<16xf32>,
    %add3A_207 = arith.constant 1 : i32
    %add3A_208 = vector.broadcast %add3A_207 : i32 to vector<16xi32>
    %add3A_209 = arith.addi %broadcast_in_dim3A_12, %add3A_208 : vector<16xi32>
    tpu.vector_store_idx %arg9[%add3A_36, %add3A_209], %mul3A_206 : memref<128x2xf32, #tpu.memory_space<vmem>>[vector<16xi32>, vector<16xi32>], vector<16xf32>,
    %mul3A_210 = arith.constant 4 : i32
    %mul3A_211 = vector.broadcast %mul3A_210 : i32 to vector<16xi32>
    %mul3A_212 = arith.muli %scan3A_47#11, %mul3A_211 : vector<16xi32>
    %add3A_213 = arith.constant 0 : i32
    %add3A_214 = vector.broadcast %add3A_213 : i32 to vector<16xi32>
    %add3A_215 = arith.addi %mul3A_212, %add3A_214 : vector<16xi32>
    %gather3A_216 = tpu.vector_load_idx %arg8[%add3A_215] : memref<288xi32, #tpu.memory_space<vmem>>[vector<16xi32>], vector<16xi32>,
    %mul3A_217 = arith.constant 4 : i32
    %mul3A_218 = vector.broadcast %mul3A_217 : i32 to vector<16xi32>
    %mul3A_219 = arith.muli %scan3A_47#13, %mul3A_218 : vector<16xi32>
    %add3A_220 = arith.constant 0 : i32
    %add3A_221 = vector.broadcast %add3A_220 : i32 to vector<16xi32>
    %add3A_222 = arith.addi %mul3A_219, %add3A_221 : vector<16xi32>
    %gather3A_223 = tpu.vector_load_idx %arg8[%add3A_222] : memref<288xi32, #tpu.memory_space<vmem>>[vector<16xi32>], vector<16xi32>,
    %add3A_224 = arith.constant 0 : i32
    %add3A_225 = vector.broadcast %add3A_224 : i32 to vector<16xi32>
    %add3A_226 = arith.addi %broadcast_in_dim3A_12, %add3A_225 : vector<16xi32>
    tpu.vector_store_idx %arg10[%add3A_36, %broadcast_in_dim3A_12, %add3A_226], %gather3A_216 : memref<128x2x3xi32, #tpu.memory_space<vmem>>[vector<16xi32>, vector<16xi32>, vector<16xi32>], vector<16xi32>,
    %add3A_227 = arith.constant 1 : i32
    %add3A_228 = vector.broadcast %add3A_227 : i32 to vector<16xi32>
    %add3A_229 = arith.addi %broadcast_in_dim3A_12, %add3A_228 : vector<16xi32>
    %add3A_230 = arith.constant 0 : i32
    %add3A_231 = vector.broadcast %add3A_230 : i32 to vector<16xi32>
    %add3A_232 = arith.addi %broadcast_in_dim3A_12, %add3A_231 : vector<16xi32>
    tpu.vector_store_idx %arg10[%add3A_36, %add3A_229, %add3A_232], %gather3A_223 : memref<128x2x3xi32, #tpu.memory_space<vmem>>[vector<16xi32>, vector<16xi32>, vector<16xi32>], vector<16xi32>,
    %mul3A_233 = arith.constant 4 : i32
    %mul3A_234 = vector.broadcast %mul3A_233 : i32 to vector<16xi32>
    %mul3A_235 = arith.muli %scan3A_47#11, %mul3A_234 : vector<16xi32>
    %add3A_236 = arith.constant 1 : i32
    %add3A_237 = vector.broadcast %add3A_236 : i32 to vector<16xi32>
    %add3A_238 = arith.addi %mul3A_235, %add3A_237 : vector<16xi32>
    %gather3A_239 = tpu.vector_load_idx %arg8[%add3A_238] : memref<288xi32, #tpu.memory_space<vmem>>[vector<16xi32>], vector<16xi32>,
    %mul3A_240 = arith.constant 4 : i32
    %mul3A_241 = vector.broadcast %mul3A_240 : i32 to vector<16xi32>
    %mul3A_242 = arith.muli %scan3A_47#13, %mul3A_241 : vector<16xi32>
    %add3A_243 = arith.constant 1 : i32
    %add3A_244 = vector.broadcast %add3A_243 : i32 to vector<16xi32>
    %add3A_245 = arith.addi %mul3A_242, %add3A_244 : vector<16xi32>
    %gather3A_246 = tpu.vector_load_idx %arg8[%add3A_245] : memref<288xi32, #tpu.memory_space<vmem>>[vector<16xi32>], vector<16xi32>,
    %add3A_247 = arith.constant 1 : i32
    %add3A_248 = vector.broadcast %add3A_247 : i32 to vector<16xi32>
    %add3A_249 = arith.addi %broadcast_in_dim3A_12, %add3A_248 : vector<16xi32>
    tpu.vector_store_idx %arg10[%add3A_36, %broadcast_in_dim3A_12, %add3A_249], %gather3A_239 : memref<128x2x3xi32, #tpu.memory_space<vmem>>[vector<16xi32>, vector<16xi32>, vector<16xi32>], vector<16xi32>,
    %add3A_250 = arith.constant 1 : i32
    %add3A_251 = vector.broadcast %add3A_250 : i32 to vector<16xi32>
    %add3A_252 = arith.addi %broadcast_in_dim3A_12, %add3A_251 : vector<16xi32>
    %add3A_253 = arith.constant 1 : i32
    %add3A_254 = vector.broadcast %add3A_253 : i32 to vector<16xi32>
    %add3A_255 = arith.addi %broadcast_in_dim3A_12, %add3A_254 : vector<16xi32>
    tpu.vector_store_idx %arg10[%add3A_36, %add3A_252, %add3A_255], %gather3A_246 : memref<128x2x3xi32, #tpu.memory_space<vmem>>[vector<16xi32>, vector<16xi32>, vector<16xi32>], vector<16xi32>,
    %mul3A_256 = arith.constant 4 : i32
    %mul3A_257 = vector.broadcast %mul3A_256 : i32 to vector<16xi32>
    %mul3A_258 = arith.muli %scan3A_47#11, %mul3A_257 : vector<16xi32>
    %add3A_259 = arith.constant 2 : i32
    %add3A_260 = vector.broadcast %add3A_259 : i32 to vector<16xi32>
    %add3A_261 = arith.addi %mul3A_258, %add3A_260 : vector<16xi32>
    %gather3A_262 = tpu.vector_load_idx %arg8[%add3A_261] : memref<288xi32, #tpu.memory_space<vmem>>[vector<16xi32>], vector<16xi32>,
    %mul3A_263 = arith.constant 4 : i32
    %mul3A_264 = vector.broadcast %mul3A_263 : i32 to vector<16xi32>
    %mul3A_265 = arith.muli %scan3A_47#13, %mul3A_264 : vector<16xi32>
    %add3A_266 = arith.constant 2 : i32
    %add3A_267 = vector.broadcast %add3A_266 : i32 to vector<16xi32>
    %add3A_268 = arith.addi %mul3A_265, %add3A_267 : vector<16xi32>
    %gather3A_269 = tpu.vector_load_idx %arg8[%add3A_268] : memref<288xi32, #tpu.memory_space<vmem>>[vector<16xi32>], vector<16xi32>,
    %add3A_270 = arith.constant 2 : i32
    %add3A_271 = vector.broadcast %add3A_270 : i32 to vector<16xi32>
    %add3A_272 = arith.addi %broadcast_in_dim3A_12, %add3A_271 : vector<16xi32>
    tpu.vector_store_idx %arg10[%add3A_36, %broadcast_in_dim3A_12, %add3A_272], %gather3A_262 : memref<128x2x3xi32, #tpu.memory_space<vmem>>[vector<16xi32>, vector<16xi32>, vector<16xi32>], vector<16xi32>,
    %add3A_273 = arith.constant 1 : i32
    %add3A_274 = vector.broadcast %add3A_273 : i32 to vector<16xi32>
    %add3A_275 = arith.addi %broadcast_in_dim3A_12, %add3A_274 : vector<16xi32>
    %add3A_276 = arith.constant 2 : i32
    %add3A_277 = vector.broadcast %add3A_276 : i32 to vector<16xi32>
    %add3A_278 = arith.addi %broadcast_in_dim3A_12, %add3A_277 : vector<16xi32>
    tpu.vector_store_idx %arg10[%add3A_36, %add3A_275, %add3A_278], %gather3A_269 : memref<128x2x3xi32, #tpu.memory_space<vmem>>[vector<16xi32>, vector<16xi32>, vector<16xi32>], vector<16xi32>,
    %div3A_279 = arith.constant 1.000000e+00 : f32
    %div3A_280 = vector.broadcast %div3A_279 : f32 to vector<16xf32>
    %div3A_281 = arith.divf %div3A_280, %scan3A_47#19 : vector<16xf32>
    %sub3A_282 = arith.subf %scan3A_47#17, %scan3A_47#15 : vector<16xf32>
    %exp3A_283 = math.exp %sub3A_282 : vector<16xf32>
    %mul3A_284 = arith.mulf %exp3A_283, %div3A_281 : vector<16xf32>
    tpu.vector_store_idx %arg9[%add3A_39, %broadcast_in_dim3A_12], %div3A_281 : memref<128x2xf32, #tpu.memory_space<vmem>>[vector<16xi32>, vector<16xi32>], vector<16xf32>,
    %add3A_285 = arith.constant 1 : i32
    %add3A_286 = vector.broadcast %add3A_285 : i32 to vector<16xi32>
    %add3A_287 = arith.addi %broadcast_in_dim3A_12, %add3A_286 : vector<16xi32>
    tpu.vector_store_idx %arg9[%add3A_39, %add3A_287], %mul3A_284 : memref<128x2xf32, #tpu.memory_space<vmem>>[vector<16xi32>, vector<16xi32>], vector<16xf32>,
    %mul3A_288 = arith.constant 4 : i32
    %mul3A_289 = vector.broadcast %mul3A_288 : i32 to vector<16xi32>
    %mul3A_290 = arith.muli %scan3A_47#16, %mul3A_289 : vector<16xi32>
    %add3A_291 = arith.constant 0 : i32
    %add3A_292 = vector.broadcast %add3A_291 : i32 to vector<16xi32>
    %add3A_293 = arith.addi %mul3A_290, %add3A_292 : vector<16xi32>
    %gather3A_294 = tpu.vector_load_idx %arg8[%add3A_293] : memref<288xi32, #tpu.memory_space<vmem>>[vector<16xi32>], vector<16xi32>,
    %mul3A_295 = arith.constant 4 : i32
    %mul3A_296 = vector.broadcast %mul3A_295 : i32 to vector<16xi32>
    %mul3A_297 = arith.muli %scan3A_47#18, %mul3A_296 : vector<16xi32>
    %add3A_298 = arith.constant 0 : i32
    %add3A_299 = vector.broadcast %add3A_298 : i32 to vector<16xi32>
    %add3A_300 = arith.addi %mul3A_297, %add3A_299 : vector<16xi32>
    %gather3A_301 = tpu.vector_load_idx %arg8[%add3A_300] : memref<288xi32, #tpu.memory_space<vmem>>[vector<16xi32>], vector<16xi32>,
    %add3A_302 = arith.constant 0 : i32
    %add3A_303 = vector.broadcast %add3A_302 : i32 to vector<16xi32>
    %add3A_304 = arith.addi %broadcast_in_dim3A_12, %add3A_303 : vector<16xi32>
    tpu.vector_store_idx %arg10[%add3A_39, %broadcast_in_dim3A_12, %add3A_304], %gather3A_294 : memref<128x2x3xi32, #tpu.memory_space<vmem>>[vector<16xi32>, vector<16xi32>, vector<16xi32>], vector<16xi32>,
    %add3A_305 = arith.constant 1 : i32
    %add3A_306 = vector.broadcast %add3A_305 : i32 to vector<16xi32>
    %add3A_307 = arith.addi %broadcast_in_dim3A_12, %add3A_306 : vector<16xi32>
    %add3A_308 = arith.constant 0 : i32
    %add3A_309 = vector.broadcast %add3A_308 : i32 to vector<16xi32>
    %add3A_310 = arith.addi %broadcast_in_dim3A_12, %add3A_309 : vector<16xi32>
    tpu.vector_store_idx %arg10[%add3A_39, %add3A_307, %add3A_310], %gather3A_301 : memref<128x2x3xi32, #tpu.memory_space<vmem>>[vector<16xi32>, vector<16xi32>, vector<16xi32>], vector<16xi32>,
    %mul3A_311 = arith.constant 4 : i32
    %mul3A_312 = vector.broadcast %mul3A_311 : i32 to vector<16xi32>
    %mul3A_313 = arith.muli %scan3A_47#16, %mul3A_312 : vector<16xi32>
    %add3A_314 = arith.constant 1 : i32
    %add3A_315 = vector.broadcast %add3A_314 : i32 to vector<16xi32>
    %add3A_316 = arith.addi %mul3A_313, %add3A_315 : vector<16xi32>
    %gather3A_317 = tpu.vector_load_idx %arg8[%add3A_316] : memref<288xi32, #tpu.memory_space<vmem>>[vector<16xi32>], vector<16xi32>,
    %mul3A_318 = arith.constant 4 : i32
    %mul3A_319 = vector.broadcast %mul3A_318 : i32 to vector<16xi32>
    %mul3A_320 = arith.muli %scan3A_47#18, %mul3A_319 : vector<16xi32>
    %add3A_321 = arith.constant 1 : i32
    %add3A_322 = vector.broadcast %add3A_321 : i32 to vector<16xi32>
    %add3A_323 = arith.addi %mul3A_320, %add3A_322 : vector<16xi32>
    %gather3A_324 = tpu.vector_load_idx %arg8[%add3A_323] : memref<288xi32, #tpu.memory_space<vmem>>[vector<16xi32>], vector<16xi32>,
    %add3A_325 = arith.constant 1 : i32
    %add3A_326 = vector.broadcast %add3A_325 : i32 to vector<16xi32>
    %add3A_327 = arith.addi %broadcast_in_dim3A_12, %add3A_326 : vector<16xi32>
    tpu.vector_store_idx %arg10[%add3A_39, %broadcast_in_dim3A_12, %add3A_327], %gather3A_317 : memref<128x2x3xi32, #tpu.memory_space<vmem>>[vector<16xi32>, vector<16xi32>, vector<16xi32>], vector<16xi32>,
    %add3A_328 = arith.constant 1 : i32
    %add3A_329 = vector.broadcast %add3A_328 : i32 to vector<16xi32>
    %add3A_330 = arith.addi %broadcast_in_dim3A_12, %add3A_329 : vector<16xi32>
    %add3A_331 = arith.constant 1 : i32
    %add3A_332 = vector.broadcast %add3A_331 : i32 to vector<16xi32>
    %add3A_333 = arith.addi %broadcast_in_dim3A_12, %add3A_332 : vector<16xi32>
    tpu.vector_store_idx %arg10[%add3A_39, %add3A_330, %add3A_333], %gather3A_324 : memref<128x2x3xi32, #tpu.memory_space<vmem>>[vector<16xi32>, vector<16xi32>, vector<16xi32>], vector<16xi32>,
    %mul3A_334 = arith.constant 4 : i32
    %mul3A_335 = vector.broadcast %mul3A_334 : i32 to vector<16xi32>
    %mul3A_336 = arith.muli %scan3A_47#16, %mul3A_335 : vector<16xi32>
    %add3A_337 = arith.constant 2 : i32
    %add3A_338 = vector.broadcast %add3A_337 : i32 to vector<16xi32>
    %add3A_339 = arith.addi %mul3A_336, %add3A_338 : vector<16xi32>
    %gather3A_340 = tpu.vector_load_idx %arg8[%add3A_339] : memref<288xi32, #tpu.memory_space<vmem>>[vector<16xi32>], vector<16xi32>,
    %mul3A_341 = arith.constant 4 : i32
    %mul3A_342 = vector.broadcast %mul3A_341 : i32 to vector<16xi32>
    %mul3A_343 = arith.muli %scan3A_47#18, %mul3A_342 : vector<16xi32>
    %add3A_344 = arith.constant 2 : i32
    %add3A_345 = vector.broadcast %add3A_344 : i32 to vector<16xi32>
    %add3A_346 = arith.addi %mul3A_343, %add3A_345 : vector<16xi32>
    %gather3A_347 = tpu.vector_load_idx %arg8[%add3A_346] : memref<288xi32, #tpu.memory_space<vmem>>[vector<16xi32>], vector<16xi32>,
    %add3A_348 = arith.constant 2 : i32
    %add3A_349 = vector.broadcast %add3A_348 : i32 to vector<16xi32>
    %add3A_350 = arith.addi %broadcast_in_dim3A_12, %add3A_349 : vector<16xi32>
    tpu.vector_store_idx %arg10[%add3A_39, %broadcast_in_dim3A_12, %add3A_350], %gather3A_340 : memref<128x2x3xi32, #tpu.memory_space<vmem>>[vector<16xi32>, vector<16xi32>, vector<16xi32>], vector<16xi32>,
    %add3A_351 = arith.constant 1 : i32
    %add3A_352 = vector.broadcast %add3A_351 : i32 to vector<16xi32>
    %add3A_353 = arith.addi %broadcast_in_dim3A_12, %add3A_352 : vector<16xi32>
    %add3A_354 = arith.constant 2 : i32
    %add3A_355 = vector.broadcast %add3A_354 : i32 to vector<16xi32>
    %add3A_356 = arith.addi %broadcast_in_dim3A_12, %add3A_355 : vector<16xi32>
    tpu.vector_store_idx %arg10[%add3A_39, %add3A_353, %add3A_356], %gather3A_347 : memref<128x2x3xi32, #tpu.memory_space<vmem>>[vector<16xi32>, vector<16xi32>, vector<16xi32>], vector<16xi32>,
    %dma_wait3A_357 = arith.constant 0 : i32
    %dma_wait3A_358 = tpu.memref_slice %arg2[%add3A_7, %dma_wait3A_357] : memref<4096x128xf32, #tpu.memory_space<hbm>> -> memref<64x128xf32, #tpu.memory_space<hbm>>
    %dma_wait3A_359 = arith.constant 0 : i32
    %dma_wait3A_360 = tpu.memref_slice %arg2[%add3A_7, %dma_wait3A_359] : memref<4096x128xf32, #tpu.memory_space<hbm>> -> memref<64x128xf32, #tpu.memory_space<hbm>>
    tpu.wait_dma2 semaphore(%arg12 : memref<!tpu.dma_semaphore, #tpu.memory_space<semaphore_mem>>) src(%dma_wait3A_360 : memref<64x128xf32, #tpu.memory_space<hbm>>) dst(%arg7 : memref<64x128xf32, #tpu.memory_space<vmem>>)
    %add3A_361 = arith.constant 0 : i32
    %add3A_362 = vector.broadcast %add3A_361 : i32 to vector<16xi32>
    %add3A_363 = arith.addi %add3A_362, %iota3A : vector<16xi32>
    %add3A_364 = arith.constant 16 : i32
    %add3A_365 = vector.broadcast %add3A_364 : i32 to vector<16xi32>
    %add3A_366 = arith.addi %add3A_365, %iota3A : vector<16xi32>
    %add3A_367 = arith.constant 32 : i32
    %add3A_368 = vector.broadcast %add3A_367 : i32 to vector<16xi32>
    %add3A_369 = arith.addi %add3A_368, %iota3A : vector<16xi32>
    %add3A_370 = arith.constant 48 : i32
    %add3A_371 = vector.broadcast %add3A_370 : i32 to vector<16xi32>
    %add3A_372 = arith.addi %add3A_371, %iota3A : vector<16xi32>
    %add3A_373 = arith.constant 64 : i32
    %add3A_374 = vector.broadcast %add3A_373 : i32 to vector<16xi32>
    %add3A_375 = arith.addi %add3A_374, %add3A_363 : vector<16xi32>
    %add3A_376 = arith.constant 64 : i32
    %add3A_377 = vector.broadcast %add3A_376 : i32 to vector<16xi32>
    %add3A_378 = arith.addi %add3A_377, %add3A_366 : vector<16xi32>
    %add3A_379 = arith.constant 64 : i32
    %add3A_380 = vector.broadcast %add3A_379 : i32 to vector<16xi32>
    %add3A_381 = arith.addi %add3A_380, %add3A_369 : vector<16xi32>
    %add3A_382 = arith.constant 64 : i32
    %add3A_383 = vector.broadcast %add3A_382 : i32 to vector<16xi32>
    %add3A_384 = arith.addi %add3A_383, %add3A_372 : vector<16xi32>
    %broadcast_in_dim3A_385 = arith.constant -1.000000e+30 : f32
    %broadcast_in_dim3A_386 = vector.broadcast %broadcast_in_dim3A_385 : f32 to vector<16xf32>
    %broadcast_in_dim3A_387 = arith.constant 0.000000e+00 : f32
    %broadcast_in_dim3A_388 = vector.broadcast %broadcast_in_dim3A_387 : f32 to vector<16xf32>
    %scan3A_389 = arith.constant 0 : i32
    %scan3A_390 = arith.constant 72 : i32
    %scan3A_391 = arith.addi %scan3A_389, %scan3A_390 : i32
    %scan3A_392 = arith.constant 1 : i32
    %scan3A_393:20 = scf.for %scan3A_707 = %scan3A_389 to %scan3A_391 step %scan3A_392 iter_args(%scan3A_708 = %broadcast_in_dim3A_386, %scan3A_709 = %broadcast_in_dim3A_12, %scan3A_710 = %broadcast_in_dim3A_386, %scan3A_711 = %broadcast_in_dim3A_12, %scan3A_712 = %broadcast_in_dim3A_388, %scan3A_713 = %broadcast_in_dim3A_386, %scan3A_714 = %broadcast_in_dim3A_12, %scan3A_715 = %broadcast_in_dim3A_386, %scan3A_716 = %broadcast_in_dim3A_12, %scan3A_717 = %broadcast_in_dim3A_388, %scan3A_718 = %broadcast_in_dim3A_386, %scan3A_719 = %broadcast_in_dim3A_12, %scan3A_720 = %broadcast_in_dim3A_386, %scan3A_721 = %broadcast_in_dim3A_12, %scan3A_722 = %broadcast_in_dim3A_388, %scan3A_723 = %broadcast_in_dim3A_386, %scan3A_724 = %broadcast_in_dim3A_12, %scan3A_725 = %broadcast_in_dim3A_386, %scan3A_726 = %broadcast_in_dim3A_12, %scan3A_727 = %broadcast_in_dim3A_388) -> (vector<16xf32>, vector<16xi32>, vector<16xf32>, vector<16xi32>, vector<16xf32>, vector<16xf32>, vector<16xi32>, vector<16xf32>, vector<16xi32>, vector<16xf32>, vector<16xf32>, vector<16xi32>, vector<16xf32>, vector<16xi32>, vector<16xf32>, vector<16xf32>, vector<16xi32>, vector<16xf32>, vector<16xi32>, vector<16xf32>)  : i32 {
      %add3A_728 = vector.broadcast %scan3A_707 : i32 to vector<16xi32>
      %add3A_729 = arith.addi %broadcast_in_dim3A_12, %add3A_728 : vector<16xi32>
      %gather3A_730 = tpu.vector_load_idx %arg7[%add3A_363, %add3A_729] : memref<64x128xf32, #tpu.memory_space<vmem>>[vector<16xi32>, vector<16xi32>], vector<16xf32>,
      %gt3A = arith.cmpf ogt, %gather3A_730, %scan3A_708 : vector<16xf32>
      %min3A = arith.minimumf %gather3A_730, %scan3A_708 : vector<16xf32>
      %max3A = arith.maximumf %gather3A_730, %scan3A_708 : vector<16xf32>
      %gt3A_731 = arith.cmpf ogt, %min3A, %scan3A_710 : vector<16xf32>
      %max3A_732 = arith.maximumf %min3A, %scan3A_710 : vector<16xf32>
      %select_n3A = arith.select %gt3A, %add3A_729, %scan3A_709 : vector<16xi1>, vector<16xi32>
      %select_n3A_733 = arith.select %gt3A, %scan3A_709, %add3A_729 : vector<16xi1>, vector<16xi32>
      %select_n3A_734 = arith.select %gt3A_731, %select_n3A_733, %scan3A_711 : vector<16xi1>, vector<16xi32>
      %sub3A_735 = arith.subf %scan3A_708, %max3A : vector<16xf32>
      %exp3A_736 = math.exp %sub3A_735 : vector<16xf32>
      %mul3A_737 = arith.mulf %scan3A_712, %exp3A_736 : vector<16xf32>
      %sub3A_738 = arith.subf %gather3A_730, %max3A : vector<16xf32>
      %exp3A_739 = math.exp %sub3A_738 : vector<16xf32>
      %add3A_740 = arith.addf %mul3A_737, %exp3A_739 : vector<16xf32>
      %gather3A_741 = tpu.vector_load_idx %arg7[%add3A_366, %add3A_729] : memref<64x128xf32, #tpu.memory_space<vmem>>[vector<16xi32>, vector<16xi32>], vector<16xf32>,
      %gt3A_742 = arith.cmpf ogt, %gather3A_741, %scan3A_713 : vector<16xf32>
      %min3A_743 = arith.minimumf %gather3A_741, %scan3A_713 : vector<16xf32>
      %max3A_744 = arith.maximumf %gather3A_741, %scan3A_713 : vector<16xf32>
      %gt3A_745 = arith.cmpf ogt, %min3A_743, %scan3A_715 : vector<16xf32>
      %max3A_746 = arith.maximumf %min3A_743, %scan3A_715 : vector<16xf32>
      %select_n3A_747 = arith.select %gt3A_742, %add3A_729, %scan3A_714 : vector<16xi1>, vector<16xi32>
      %select_n3A_748 = arith.select %gt3A_742, %scan3A_714, %add3A_729 : vector<16xi1>, vector<16xi32>
      %select_n3A_749 = arith.select %gt3A_745, %select_n3A_748, %scan3A_716 : vector<16xi1>, vector<16xi32>
      %sub3A_750 = arith.subf %scan3A_713, %max3A_744 : vector<16xf32>
      %exp3A_751 = math.exp %sub3A_750 : vector<16xf32>
      %mul3A_752 = arith.mulf %scan3A_717, %exp3A_751 : vector<16xf32>
      %sub3A_753 = arith.subf %gather3A_741, %max3A_744 : vector<16xf32>
      %exp3A_754 = math.exp %sub3A_753 : vector<16xf32>
      %add3A_755 = arith.addf %mul3A_752, %exp3A_754 : vector<16xf32>
      %gather3A_756 = tpu.vector_load_idx %arg7[%add3A_369, %add3A_729] : memref<64x128xf32, #tpu.memory_space<vmem>>[vector<16xi32>, vector<16xi32>], vector<16xf32>,
      %gt3A_757 = arith.cmpf ogt, %gather3A_756, %scan3A_718 : vector<16xf32>
      %min3A_758 = arith.minimumf %gather3A_756, %scan3A_718 : vector<16xf32>
      %max3A_759 = arith.maximumf %gather3A_756, %scan3A_718 : vector<16xf32>
      %gt3A_760 = arith.cmpf ogt, %min3A_758, %scan3A_720 : vector<16xf32>
      %max3A_761 = arith.maximumf %min3A_758, %scan3A_720 : vector<16xf32>
      %select_n3A_762 = arith.select %gt3A_757, %add3A_729, %scan3A_719 : vector<16xi1>, vector<16xi32>
      %select_n3A_763 = arith.select %gt3A_757, %scan3A_719, %add3A_729 : vector<16xi1>, vector<16xi32>
      %select_n3A_764 = arith.select %gt3A_760, %select_n3A_763, %scan3A_721 : vector<16xi1>, vector<16xi32>
      %sub3A_765 = arith.subf %scan3A_718, %max3A_759 : vector<16xf32>
      %exp3A_766 = math.exp %sub3A_765 : vector<16xf32>
      %mul3A_767 = arith.mulf %scan3A_722, %exp3A_766 : vector<16xf32>
      %sub3A_768 = arith.subf %gather3A_756, %max3A_759 : vector<16xf32>
      %exp3A_769 = math.exp %sub3A_768 : vector<16xf32>
      %add3A_770 = arith.addf %mul3A_767, %exp3A_769 : vector<16xf32>
      %gather3A_771 = tpu.vector_load_idx %arg7[%add3A_372, %add3A_729] : memref<64x128xf32, #tpu.memory_space<vmem>>[vector<16xi32>, vector<16xi32>], vector<16xf32>,
      %gt3A_772 = arith.cmpf ogt, %gather3A_771, %scan3A_723 : vector<16xf32>
      %min3A_773 = arith.minimumf %gather3A_771, %scan3A_723 : vector<16xf32>
      %max3A_774 = arith.maximumf %gather3A_771, %scan3A_723 : vector<16xf32>
      %gt3A_775 = arith.cmpf ogt, %min3A_773, %scan3A_725 : vector<16xf32>
      %max3A_776 = arith.maximumf %min3A_773, %scan3A_725 : vector<16xf32>
      %select_n3A_777 = arith.select %gt3A_772, %add3A_729, %scan3A_724 : vector<16xi1>, vector<16xi32>
      %select_n3A_778 = arith.select %gt3A_772, %scan3A_724, %add3A_729 : vector<16xi1>, vector<16xi32>
      %select_n3A_779 = arith.select %gt3A_775, %select_n3A_778, %scan3A_726 : vector<16xi1>, vector<16xi32>
      %sub3A_780 = arith.subf %scan3A_723, %max3A_774 : vector<16xf32>
      %exp3A_781 = math.exp %sub3A_780 : vector<16xf32>
      %mul3A_782 = arith.mulf %scan3A_727, %exp3A_781 : vector<16xf32>
      %sub3A_783 = arith.subf %gather3A_771, %max3A_774 : vector<16xf32>
      %exp3A_784 = math.exp %sub3A_783 : vector<16xf32>
      %add3A_785 = arith.addf %mul3A_782, %exp3A_784 : vector<16xf32>
      scf.yield %max3A, %select_n3A, %max3A_732, %select_n3A_734, %add3A_740, %max3A_744, %select_n3A_747, %max3A_746, %select_n3A_749, %add3A_755, %max3A_759, %select_n3A_762, %max3A_761, %select_n3A_764, %add3A_770, %max3A_774, %select_n3A_777, %max3A_776, %select_n3A_779, %add3A_785 : vector<16xf32>, vector<16xi32>, vector<16xf32>, vector<16xi32>, vector<16xf32>, vector<16xf32>, vector<16xi32>, vector<16xf32>, vector<16xi32>, vector<16xf32>, vector<16xf32>, vector<16xi32>, vector<16xf32>, vector<16xi32>, vector<16xf32>, vector<16xf32>, vector<16xi32>, vector<16xf32>, vector<16xi32>, vector<16xf32>
    }
    %scan3A_394 = arith.constant 72 : i32
    %div3A_395 = arith.constant 1.000000e+00 : f32
    %div3A_396 = vector.broadcast %div3A_395 : f32 to vector<16xf32>
    %div3A_397 = arith.divf %div3A_396, %scan3A_393#4 : vector<16xf32>
    %sub3A_398 = arith.subf %scan3A_393#2, %scan3A_393#0 : vector<16xf32>
    %exp3A_399 = math.exp %sub3A_398 : vector<16xf32>
    %mul3A_400 = arith.mulf %exp3A_399, %div3A_397 : vector<16xf32>
    tpu.vector_store_idx %arg9[%add3A_375, %broadcast_in_dim3A_12], %div3A_397 : memref<128x2xf32, #tpu.memory_space<vmem>>[vector<16xi32>, vector<16xi32>], vector<16xf32>,
    %add3A_401 = arith.constant 1 : i32
    %add3A_402 = vector.broadcast %add3A_401 : i32 to vector<16xi32>
    %add3A_403 = arith.addi %broadcast_in_dim3A_12, %add3A_402 : vector<16xi32>
    tpu.vector_store_idx %arg9[%add3A_375, %add3A_403], %mul3A_400 : memref<128x2xf32, #tpu.memory_space<vmem>>[vector<16xi32>, vector<16xi32>], vector<16xf32>,
    %mul3A_404 = arith.constant 4 : i32
    %mul3A_405 = vector.broadcast %mul3A_404 : i32 to vector<16xi32>
    %mul3A_406 = arith.muli %scan3A_393#1, %mul3A_405 : vector<16xi32>
    %add3A_407 = arith.constant 0 : i32
    %add3A_408 = vector.broadcast %add3A_407 : i32 to vector<16xi32>
    %add3A_409 = arith.addi %mul3A_406, %add3A_408 : vector<16xi32>
    %gather3A_410 = tpu.vector_load_idx %arg8[%add3A_409] : memref<288xi32, #tpu.memory_space<vmem>>[vector<16xi32>], vector<16xi32>,
    %mul3A_411 = arith.constant 4 : i32
    %mul3A_412 = vector.broadcast %mul3A_411 : i32 to vector<16xi32>
    %mul3A_413 = arith.muli %scan3A_393#3, %mul3A_412 : vector<16xi32>
    %add3A_414 = arith.constant 0 : i32
    %add3A_415 = vector.broadcast %add3A_414 : i32 to vector<16xi32>
    %add3A_416 = arith.addi %mul3A_413, %add3A_415 : vector<16xi32>
    %gather3A_417 = tpu.vector_load_idx %arg8[%add3A_416] : memref<288xi32, #tpu.memory_space<vmem>>[vector<16xi32>], vector<16xi32>,
    %add3A_418 = arith.constant 0 : i32
    %add3A_419 = vector.broadcast %add3A_418 : i32 to vector<16xi32>
    %add3A_420 = arith.addi %broadcast_in_dim3A_12, %add3A_419 : vector<16xi32>
    tpu.vector_store_idx %arg10[%add3A_375, %broadcast_in_dim3A_12, %add3A_420], %gather3A_410 : memref<128x2x3xi32, #tpu.memory_space<vmem>>[vector<16xi32>, vector<16xi32>, vector<16xi32>], vector<16xi32>,
    %add3A_421 = arith.constant 1 : i32
    %add3A_422 = vector.broadcast %add3A_421 : i32 to vector<16xi32>
    %add3A_423 = arith.addi %broadcast_in_dim3A_12, %add3A_422 : vector<16xi32>
    %add3A_424 = arith.constant 0 : i32
    %add3A_425 = vector.broadcast %add3A_424 : i32 to vector<16xi32>
    %add3A_426 = arith.addi %broadcast_in_dim3A_12, %add3A_425 : vector<16xi32>
    tpu.vector_store_idx %arg10[%add3A_375, %add3A_423, %add3A_426], %gather3A_417 : memref<128x2x3xi32, #tpu.memory_space<vmem>>[vector<16xi32>, vector<16xi32>, vector<16xi32>], vector<16xi32>,
    %mul3A_427 = arith.constant 4 : i32
    %mul3A_428 = vector.broadcast %mul3A_427 : i32 to vector<16xi32>
    %mul3A_429 = arith.muli %scan3A_393#1, %mul3A_428 : vector<16xi32>
    %add3A_430 = arith.constant 1 : i32
    %add3A_431 = vector.broadcast %add3A_430 : i32 to vector<16xi32>
    %add3A_432 = arith.addi %mul3A_429, %add3A_431 : vector<16xi32>
    %gather3A_433 = tpu.vector_load_idx %arg8[%add3A_432] : memref<288xi32, #tpu.memory_space<vmem>>[vector<16xi32>], vector<16xi32>,
    %mul3A_434 = arith.constant 4 : i32
    %mul3A_435 = vector.broadcast %mul3A_434 : i32 to vector<16xi32>
    %mul3A_436 = arith.muli %scan3A_393#3, %mul3A_435 : vector<16xi32>
    %add3A_437 = arith.constant 1 : i32
    %add3A_438 = vector.broadcast %add3A_437 : i32 to vector<16xi32>
    %add3A_439 = arith.addi %mul3A_436, %add3A_438 : vector<16xi32>
    %gather3A_440 = tpu.vector_load_idx %arg8[%add3A_439] : memref<288xi32, #tpu.memory_space<vmem>>[vector<16xi32>], vector<16xi32>,
    %add3A_441 = arith.constant 1 : i32
    %add3A_442 = vector.broadcast %add3A_441 : i32 to vector<16xi32>
    %add3A_443 = arith.addi %broadcast_in_dim3A_12, %add3A_442 : vector<16xi32>
    tpu.vector_store_idx %arg10[%add3A_375, %broadcast_in_dim3A_12, %add3A_443], %gather3A_433 : memref<128x2x3xi32, #tpu.memory_space<vmem>>[vector<16xi32>, vector<16xi32>, vector<16xi32>], vector<16xi32>,
    %add3A_444 = arith.constant 1 : i32
    %add3A_445 = vector.broadcast %add3A_444 : i32 to vector<16xi32>
    %add3A_446 = arith.addi %broadcast_in_dim3A_12, %add3A_445 : vector<16xi32>
    %add3A_447 = arith.constant 1 : i32
    %add3A_448 = vector.broadcast %add3A_447 : i32 to vector<16xi32>
    %add3A_449 = arith.addi %broadcast_in_dim3A_12, %add3A_448 : vector<16xi32>
    tpu.vector_store_idx %arg10[%add3A_375, %add3A_446, %add3A_449], %gather3A_440 : memref<128x2x3xi32, #tpu.memory_space<vmem>>[vector<16xi32>, vector<16xi32>, vector<16xi32>], vector<16xi32>,
    %mul3A_450 = arith.constant 4 : i32
    %mul3A_451 = vector.broadcast %mul3A_450 : i32 to vector<16xi32>
    %mul3A_452 = arith.muli %scan3A_393#1, %mul3A_451 : vector<16xi32>
    %add3A_453 = arith.constant 2 : i32
    %add3A_454 = vector.broadcast %add3A_453 : i32 to vector<16xi32>
    %add3A_455 = arith.addi %mul3A_452, %add3A_454 : vector<16xi32>
    %gather3A_456 = tpu.vector_load_idx %arg8[%add3A_455] : memref<288xi32, #tpu.memory_space<vmem>>[vector<16xi32>], vector<16xi32>,
    %mul3A_457 = arith.constant 4 : i32
    %mul3A_458 = vector.broadcast %mul3A_457 : i32 to vector<16xi32>
    %mul3A_459 = arith.muli %scan3A_393#3, %mul3A_458 : vector<16xi32>
    %add3A_460 = arith.constant 2 : i32
    %add3A_461 = vector.broadcast %add3A_460 : i32 to vector<16xi32>
    %add3A_462 = arith.addi %mul3A_459, %add3A_461 : vector<16xi32>
    %gather3A_463 = tpu.vector_load_idx %arg8[%add3A_462] : memref<288xi32, #tpu.memory_space<vmem>>[vector<16xi32>], vector<16xi32>,
    %add3A_464 = arith.constant 2 : i32
    %add3A_465 = vector.broadcast %add3A_464 : i32 to vector<16xi32>
    %add3A_466 = arith.addi %broadcast_in_dim3A_12, %add3A_465 : vector<16xi32>
    tpu.vector_store_idx %arg10[%add3A_375, %broadcast_in_dim3A_12, %add3A_466], %gather3A_456 : memref<128x2x3xi32, #tpu.memory_space<vmem>>[vector<16xi32>, vector<16xi32>, vector<16xi32>], vector<16xi32>,
    %add3A_467 = arith.constant 1 : i32
    %add3A_468 = vector.broadcast %add3A_467 : i32 to vector<16xi32>
    %add3A_469 = arith.addi %broadcast_in_dim3A_12, %add3A_468 : vector<16xi32>
    %add3A_470 = arith.constant 2 : i32
    %add3A_471 = vector.broadcast %add3A_470 : i32 to vector<16xi32>
    %add3A_472 = arith.addi %broadcast_in_dim3A_12, %add3A_471 : vector<16xi32>
    tpu.vector_store_idx %arg10[%add3A_375, %add3A_469, %add3A_472], %gather3A_463 : memref<128x2x3xi32, #tpu.memory_space<vmem>>[vector<16xi32>, vector<16xi32>, vector<16xi32>], vector<16xi32>,
    %div3A_473 = arith.constant 1.000000e+00 : f32
    %div3A_474 = vector.broadcast %div3A_473 : f32 to vector<16xf32>
    %div3A_475 = arith.divf %div3A_474, %scan3A_393#9 : vector<16xf32>
    %sub3A_476 = arith.subf %scan3A_393#7, %scan3A_393#5 : vector<16xf32>
    %exp3A_477 = math.exp %sub3A_476 : vector<16xf32>
    %mul3A_478 = arith.mulf %exp3A_477, %div3A_475 : vector<16xf32>
    tpu.vector_store_idx %arg9[%add3A_378, %broadcast_in_dim3A_12], %div3A_475 : memref<128x2xf32, #tpu.memory_space<vmem>>[vector<16xi32>, vector<16xi32>], vector<16xf32>,
    %add3A_479 = arith.constant 1 : i32
    %add3A_480 = vector.broadcast %add3A_479 : i32 to vector<16xi32>
    %add3A_481 = arith.addi %broadcast_in_dim3A_12, %add3A_480 : vector<16xi32>
    tpu.vector_store_idx %arg9[%add3A_378, %add3A_481], %mul3A_478 : memref<128x2xf32, #tpu.memory_space<vmem>>[vector<16xi32>, vector<16xi32>], vector<16xf32>,
    %mul3A_482 = arith.constant 4 : i32
    %mul3A_483 = vector.broadcast %mul3A_482 : i32 to vector<16xi32>
    %mul3A_484 = arith.muli %scan3A_393#6, %mul3A_483 : vector<16xi32>
    %add3A_485 = arith.constant 0 : i32
    %add3A_486 = vector.broadcast %add3A_485 : i32 to vector<16xi32>
    %add3A_487 = arith.addi %mul3A_484, %add3A_486 : vector<16xi32>
    %gather3A_488 = tpu.vector_load_idx %arg8[%add3A_487] : memref<288xi32, #tpu.memory_space<vmem>>[vector<16xi32>], vector<16xi32>,
    %mul3A_489 = arith.constant 4 : i32
    %mul3A_490 = vector.broadcast %mul3A_489 : i32 to vector<16xi32>
    %mul3A_491 = arith.muli %scan3A_393#8, %mul3A_490 : vector<16xi32>
    %add3A_492 = arith.constant 0 : i32
    %add3A_493 = vector.broadcast %add3A_492 : i32 to vector<16xi32>
    %add3A_494 = arith.addi %mul3A_491, %add3A_493 : vector<16xi32>
    %gather3A_495 = tpu.vector_load_idx %arg8[%add3A_494] : memref<288xi32, #tpu.memory_space<vmem>>[vector<16xi32>], vector<16xi32>,
    %add3A_496 = arith.constant 0 : i32
    %add3A_497 = vector.broadcast %add3A_496 : i32 to vector<16xi32>
    %add3A_498 = arith.addi %broadcast_in_dim3A_12, %add3A_497 : vector<16xi32>
    tpu.vector_store_idx %arg10[%add3A_378, %broadcast_in_dim3A_12, %add3A_498], %gather3A_488 : memref<128x2x3xi32, #tpu.memory_space<vmem>>[vector<16xi32>, vector<16xi32>, vector<16xi32>], vector<16xi32>,
    %add3A_499 = arith.constant 1 : i32
    %add3A_500 = vector.broadcast %add3A_499 : i32 to vector<16xi32>
    %add3A_501 = arith.addi %broadcast_in_dim3A_12, %add3A_500 : vector<16xi32>
    %add3A_502 = arith.constant 0 : i32
    %add3A_503 = vector.broadcast %add3A_502 : i32 to vector<16xi32>
    %add3A_504 = arith.addi %broadcast_in_dim3A_12, %add3A_503 : vector<16xi32>
    tpu.vector_store_idx %arg10[%add3A_378, %add3A_501, %add3A_504], %gather3A_495 : memref<128x2x3xi32, #tpu.memory_space<vmem>>[vector<16xi32>, vector<16xi32>, vector<16xi32>], vector<16xi32>,
    %mul3A_505 = arith.constant 4 : i32
    %mul3A_506 = vector.broadcast %mul3A_505 : i32 to vector<16xi32>
    %mul3A_507 = arith.muli %scan3A_393#6, %mul3A_506 : vector<16xi32>
    %add3A_508 = arith.constant 1 : i32
    %add3A_509 = vector.broadcast %add3A_508 : i32 to vector<16xi32>
    %add3A_510 = arith.addi %mul3A_507, %add3A_509 : vector<16xi32>
    %gather3A_511 = tpu.vector_load_idx %arg8[%add3A_510] : memref<288xi32, #tpu.memory_space<vmem>>[vector<16xi32>], vector<16xi32>,
    %mul3A_512 = arith.constant 4 : i32
    %mul3A_513 = vector.broadcast %mul3A_512 : i32 to vector<16xi32>
    %mul3A_514 = arith.muli %scan3A_393#8, %mul3A_513 : vector<16xi32>
    %add3A_515 = arith.constant 1 : i32
    %add3A_516 = vector.broadcast %add3A_515 : i32 to vector<16xi32>
    %add3A_517 = arith.addi %mul3A_514, %add3A_516 : vector<16xi32>
    %gather3A_518 = tpu.vector_load_idx %arg8[%add3A_517] : memref<288xi32, #tpu.memory_space<vmem>>[vector<16xi32>], vector<16xi32>,
    %add3A_519 = arith.constant 1 : i32
    %add3A_520 = vector.broadcast %add3A_519 : i32 to vector<16xi32>
    %add3A_521 = arith.addi %broadcast_in_dim3A_12, %add3A_520 : vector<16xi32>
    tpu.vector_store_idx %arg10[%add3A_378, %broadcast_in_dim3A_12, %add3A_521], %gather3A_511 : memref<128x2x3xi32, #tpu.memory_space<vmem>>[vector<16xi32>, vector<16xi32>, vector<16xi32>], vector<16xi32>,
    %add3A_522 = arith.constant 1 : i32
    %add3A_523 = vector.broadcast %add3A_522 : i32 to vector<16xi32>
    %add3A_524 = arith.addi %broadcast_in_dim3A_12, %add3A_523 : vector<16xi32>
    %add3A_525 = arith.constant 1 : i32
    %add3A_526 = vector.broadcast %add3A_525 : i32 to vector<16xi32>
    %add3A_527 = arith.addi %broadcast_in_dim3A_12, %add3A_526 : vector<16xi32>
    tpu.vector_store_idx %arg10[%add3A_378, %add3A_524, %add3A_527], %gather3A_518 : memref<128x2x3xi32, #tpu.memory_space<vmem>>[vector<16xi32>, vector<16xi32>, vector<16xi32>], vector<16xi32>,
    %mul3A_528 = arith.constant 4 : i32
    %mul3A_529 = vector.broadcast %mul3A_528 : i32 to vector<16xi32>
    %mul3A_530 = arith.muli %scan3A_393#6, %mul3A_529 : vector<16xi32>
    %add3A_531 = arith.constant 2 : i32
    %add3A_532 = vector.broadcast %add3A_531 : i32 to vector<16xi32>
    %add3A_533 = arith.addi %mul3A_530, %add3A_532 : vector<16xi32>
    %gather3A_534 = tpu.vector_load_idx %arg8[%add3A_533] : memref<288xi32, #tpu.memory_space<vmem>>[vector<16xi32>], vector<16xi32>,
    %mul3A_535 = arith.constant 4 : i32
    %mul3A_536 = vector.broadcast %mul3A_535 : i32 to vector<16xi32>
    %mul3A_537 = arith.muli %scan3A_393#8, %mul3A_536 : vector<16xi32>
    %add3A_538 = arith.constant 2 : i32
    %add3A_539 = vector.broadcast %add3A_538 : i32 to vector<16xi32>
    %add3A_540 = arith.addi %mul3A_537, %add3A_539 : vector<16xi32>
    %gather3A_541 = tpu.vector_load_idx %arg8[%add3A_540] : memref<288xi32, #tpu.memory_space<vmem>>[vector<16xi32>], vector<16xi32>,
    %add3A_542 = arith.constant 2 : i32
    %add3A_543 = vector.broadcast %add3A_542 : i32 to vector<16xi32>
    %add3A_544 = arith.addi %broadcast_in_dim3A_12, %add3A_543 : vector<16xi32>
    tpu.vector_store_idx %arg10[%add3A_378, %broadcast_in_dim3A_12, %add3A_544], %gather3A_534 : memref<128x2x3xi32, #tpu.memory_space<vmem>>[vector<16xi32>, vector<16xi32>, vector<16xi32>], vector<16xi32>,
    %add3A_545 = arith.constant 1 : i32
    %add3A_546 = vector.broadcast %add3A_545 : i32 to vector<16xi32>
    %add3A_547 = arith.addi %broadcast_in_dim3A_12, %add3A_546 : vector<16xi32>
    %add3A_548 = arith.constant 2 : i32
    %add3A_549 = vector.broadcast %add3A_548 : i32 to vector<16xi32>
    %add3A_550 = arith.addi %broadcast_in_dim3A_12, %add3A_549 : vector<16xi32>
    tpu.vector_store_idx %arg10[%add3A_378, %add3A_547, %add3A_550], %gather3A_541 : memref<128x2x3xi32, #tpu.memory_space<vmem>>[vector<16xi32>, vector<16xi32>, vector<16xi32>], vector<16xi32>,
    %div3A_551 = arith.constant 1.000000e+00 : f32
    %div3A_552 = vector.broadcast %div3A_551 : f32 to vector<16xf32>
    %div3A_553 = arith.divf %div3A_552, %scan3A_393#14 : vector<16xf32>
    %sub3A_554 = arith.subf %scan3A_393#12, %scan3A_393#10 : vector<16xf32>
    %exp3A_555 = math.exp %sub3A_554 : vector<16xf32>
    %mul3A_556 = arith.mulf %exp3A_555, %div3A_553 : vector<16xf32>
    tpu.vector_store_idx %arg9[%add3A_381, %broadcast_in_dim3A_12], %div3A_553 : memref<128x2xf32, #tpu.memory_space<vmem>>[vector<16xi32>, vector<16xi32>], vector<16xf32>,
    %add3A_557 = arith.constant 1 : i32
    %add3A_558 = vector.broadcast %add3A_557 : i32 to vector<16xi32>
    %add3A_559 = arith.addi %broadcast_in_dim3A_12, %add3A_558 : vector<16xi32>
    tpu.vector_store_idx %arg9[%add3A_381, %add3A_559], %mul3A_556 : memref<128x2xf32, #tpu.memory_space<vmem>>[vector<16xi32>, vector<16xi32>], vector<16xf32>,
    %mul3A_560 = arith.constant 4 : i32
    %mul3A_561 = vector.broadcast %mul3A_560 : i32 to vector<16xi32>
    %mul3A_562 = arith.muli %scan3A_393#11, %mul3A_561 : vector<16xi32>
    %add3A_563 = arith.constant 0 : i32
    %add3A_564 = vector.broadcast %add3A_563 : i32 to vector<16xi32>
    %add3A_565 = arith.addi %mul3A_562, %add3A_564 : vector<16xi32>
    %gather3A_566 = tpu.vector_load_idx %arg8[%add3A_565] : memref<288xi32, #tpu.memory_space<vmem>>[vector<16xi32>], vector<16xi32>,
    %mul3A_567 = arith.constant 4 : i32
    %mul3A_568 = vector.broadcast %mul3A_567 : i32 to vector<16xi32>
    %mul3A_569 = arith.muli %scan3A_393#13, %mul3A_568 : vector<16xi32>
    %add3A_570 = arith.constant 0 : i32
    %add3A_571 = vector.broadcast %add3A_570 : i32 to vector<16xi32>
    %add3A_572 = arith.addi %mul3A_569, %add3A_571 : vector<16xi32>
    %gather3A_573 = tpu.vector_load_idx %arg8[%add3A_572] : memref<288xi32, #tpu.memory_space<vmem>>[vector<16xi32>], vector<16xi32>,
    %add3A_574 = arith.constant 0 : i32
    %add3A_575 = vector.broadcast %add3A_574 : i32 to vector<16xi32>
    %add3A_576 = arith.addi %broadcast_in_dim3A_12, %add3A_575 : vector<16xi32>
    tpu.vector_store_idx %arg10[%add3A_381, %broadcast_in_dim3A_12, %add3A_576], %gather3A_566 : memref<128x2x3xi32, #tpu.memory_space<vmem>>[vector<16xi32>, vector<16xi32>, vector<16xi32>], vector<16xi32>,
    %add3A_577 = arith.constant 1 : i32
    %add3A_578 = vector.broadcast %add3A_577 : i32 to vector<16xi32>
    %add3A_579 = arith.addi %broadcast_in_dim3A_12, %add3A_578 : vector<16xi32>
    %add3A_580 = arith.constant 0 : i32
    %add3A_581 = vector.broadcast %add3A_580 : i32 to vector<16xi32>
    %add3A_582 = arith.addi %broadcast_in_dim3A_12, %add3A_581 : vector<16xi32>
    tpu.vector_store_idx %arg10[%add3A_381, %add3A_579, %add3A_582], %gather3A_573 : memref<128x2x3xi32, #tpu.memory_space<vmem>>[vector<16xi32>, vector<16xi32>, vector<16xi32>], vector<16xi32>,
    %mul3A_583 = arith.constant 4 : i32
    %mul3A_584 = vector.broadcast %mul3A_583 : i32 to vector<16xi32>
    %mul3A_585 = arith.muli %scan3A_393#11, %mul3A_584 : vector<16xi32>
    %add3A_586 = arith.constant 1 : i32
    %add3A_587 = vector.broadcast %add3A_586 : i32 to vector<16xi32>
    %add3A_588 = arith.addi %mul3A_585, %add3A_587 : vector<16xi32>
    %gather3A_589 = tpu.vector_load_idx %arg8[%add3A_588] : memref<288xi32, #tpu.memory_space<vmem>>[vector<16xi32>], vector<16xi32>,
    %mul3A_590 = arith.constant 4 : i32
    %mul3A_591 = vector.broadcast %mul3A_590 : i32 to vector<16xi32>
    %mul3A_592 = arith.muli %scan3A_393#13, %mul3A_591 : vector<16xi32>
    %add3A_593 = arith.constant 1 : i32
    %add3A_594 = vector.broadcast %add3A_593 : i32 to vector<16xi32>
    %add3A_595 = arith.addi %mul3A_592, %add3A_594 : vector<16xi32>
    %gather3A_596 = tpu.vector_load_idx %arg8[%add3A_595] : memref<288xi32, #tpu.memory_space<vmem>>[vector<16xi32>], vector<16xi32>,
    %add3A_597 = arith.constant 1 : i32
    %add3A_598 = vector.broadcast %add3A_597 : i32 to vector<16xi32>
    %add3A_599 = arith.addi %broadcast_in_dim3A_12, %add3A_598 : vector<16xi32>
    tpu.vector_store_idx %arg10[%add3A_381, %broadcast_in_dim3A_12, %add3A_599], %gather3A_589 : memref<128x2x3xi32, #tpu.memory_space<vmem>>[vector<16xi32>, vector<16xi32>, vector<16xi32>], vector<16xi32>,
    %add3A_600 = arith.constant 1 : i32
    %add3A_601 = vector.broadcast %add3A_600 : i32 to vector<16xi32>
    %add3A_602 = arith.addi %broadcast_in_dim3A_12, %add3A_601 : vector<16xi32>
    %add3A_603 = arith.constant 1 : i32
    %add3A_604 = vector.broadcast %add3A_603 : i32 to vector<16xi32>
    %add3A_605 = arith.addi %broadcast_in_dim3A_12, %add3A_604 : vector<16xi32>
    tpu.vector_store_idx %arg10[%add3A_381, %add3A_602, %add3A_605], %gather3A_596 : memref<128x2x3xi32, #tpu.memory_space<vmem>>[vector<16xi32>, vector<16xi32>, vector<16xi32>], vector<16xi32>,
    %mul3A_606 = arith.constant 4 : i32
    %mul3A_607 = vector.broadcast %mul3A_606 : i32 to vector<16xi32>
    %mul3A_608 = arith.muli %scan3A_393#11, %mul3A_607 : vector<16xi32>
    %add3A_609 = arith.constant 2 : i32
    %add3A_610 = vector.broadcast %add3A_609 : i32 to vector<16xi32>
    %add3A_611 = arith.addi %mul3A_608, %add3A_610 : vector<16xi32>
    %gather3A_612 = tpu.vector_load_idx %arg8[%add3A_611] : memref<288xi32, #tpu.memory_space<vmem>>[vector<16xi32>], vector<16xi32>,
    %mul3A_613 = arith.constant 4 : i32
    %mul3A_614 = vector.broadcast %mul3A_613 : i32 to vector<16xi32>
    %mul3A_615 = arith.muli %scan3A_393#13, %mul3A_614 : vector<16xi32>
    %add3A_616 = arith.constant 2 : i32
    %add3A_617 = vector.broadcast %add3A_616 : i32 to vector<16xi32>
    %add3A_618 = arith.addi %mul3A_615, %add3A_617 : vector<16xi32>
    %gather3A_619 = tpu.vector_load_idx %arg8[%add3A_618] : memref<288xi32, #tpu.memory_space<vmem>>[vector<16xi32>], vector<16xi32>,
    %add3A_620 = arith.constant 2 : i32
    %add3A_621 = vector.broadcast %add3A_620 : i32 to vector<16xi32>
    %add3A_622 = arith.addi %broadcast_in_dim3A_12, %add3A_621 : vector<16xi32>
    tpu.vector_store_idx %arg10[%add3A_381, %broadcast_in_dim3A_12, %add3A_622], %gather3A_612 : memref<128x2x3xi32, #tpu.memory_space<vmem>>[vector<16xi32>, vector<16xi32>, vector<16xi32>], vector<16xi32>,
    %add3A_623 = arith.constant 1 : i32
    %add3A_624 = vector.broadcast %add3A_623 : i32 to vector<16xi32>
    %add3A_625 = arith.addi %broadcast_in_dim3A_12, %add3A_624 : vector<16xi32>
    %add3A_626 = arith.constant 2 : i32
    %add3A_627 = vector.broadcast %add3A_626 : i32 to vector<16xi32>
    %add3A_628 = arith.addi %broadcast_in_dim3A_12, %add3A_627 : vector<16xi32>
    tpu.vector_store_idx %arg10[%add3A_381, %add3A_625, %add3A_628], %gather3A_619 : memref<128x2x3xi32, #tpu.memory_space<vmem>>[vector<16xi32>, vector<16xi32>, vector<16xi32>], vector<16xi32>,
    %div3A_629 = arith.constant 1.000000e+00 : f32
    %div3A_630 = vector.broadcast %div3A_629 : f32 to vector<16xf32>
    %div3A_631 = arith.divf %div3A_630, %scan3A_393#19 : vector<16xf32>
    %sub3A_632 = arith.subf %scan3A_393#17, %scan3A_393#15 : vector<16xf32>
    %exp3A_633 = math.exp %sub3A_632 : vector<16xf32>
    %mul3A_634 = arith.mulf %exp3A_633, %div3A_631 : vector<16xf32>
    tpu.vector_store_idx %arg9[%add3A_384, %broadcast_in_dim3A_12], %div3A_631 : memref<128x2xf32, #tpu.memory_space<vmem>>[vector<16xi32>, vector<16xi32>], vector<16xf32>,
    %add3A_635 = arith.constant 1 : i32
    %add3A_636 = vector.broadcast %add3A_635 : i32 to vector<16xi32>
    %add3A_637 = arith.addi %broadcast_in_dim3A_12, %add3A_636 : vector<16xi32>
    tpu.vector_store_idx %arg9[%add3A_384, %add3A_637], %mul3A_634 : memref<128x2xf32, #tpu.memory_space<vmem>>[vector<16xi32>, vector<16xi32>], vector<16xf32>,
    %mul3A_638 = arith.constant 4 : i32
    %mul3A_639 = vector.broadcast %mul3A_638 : i32 to vector<16xi32>
    %mul3A_640 = arith.muli %scan3A_393#16, %mul3A_639 : vector<16xi32>
    %add3A_641 = arith.constant 0 : i32
    %add3A_642 = vector.broadcast %add3A_641 : i32 to vector<16xi32>
    %add3A_643 = arith.addi %mul3A_640, %add3A_642 : vector<16xi32>
    %gather3A_644 = tpu.vector_load_idx %arg8[%add3A_643] : memref<288xi32, #tpu.memory_space<vmem>>[vector<16xi32>], vector<16xi32>,
    %mul3A_645 = arith.constant 4 : i32
    %mul3A_646 = vector.broadcast %mul3A_645 : i32 to vector<16xi32>
    %mul3A_647 = arith.muli %scan3A_393#18, %mul3A_646 : vector<16xi32>
    %add3A_648 = arith.constant 0 : i32
    %add3A_649 = vector.broadcast %add3A_648 : i32 to vector<16xi32>
    %add3A_650 = arith.addi %mul3A_647, %add3A_649 : vector<16xi32>
    %gather3A_651 = tpu.vector_load_idx %arg8[%add3A_650] : memref<288xi32, #tpu.memory_space<vmem>>[vector<16xi32>], vector<16xi32>,
    %add3A_652 = arith.constant 0 : i32
    %add3A_653 = vector.broadcast %add3A_652 : i32 to vector<16xi32>
    %add3A_654 = arith.addi %broadcast_in_dim3A_12, %add3A_653 : vector<16xi32>
    tpu.vector_store_idx %arg10[%add3A_384, %broadcast_in_dim3A_12, %add3A_654], %gather3A_644 : memref<128x2x3xi32, #tpu.memory_space<vmem>>[vector<16xi32>, vector<16xi32>, vector<16xi32>], vector<16xi32>,
    %add3A_655 = arith.constant 1 : i32
    %add3A_656 = vector.broadcast %add3A_655 : i32 to vector<16xi32>
    %add3A_657 = arith.addi %broadcast_in_dim3A_12, %add3A_656 : vector<16xi32>
    %add3A_658 = arith.constant 0 : i32
    %add3A_659 = vector.broadcast %add3A_658 : i32 to vector<16xi32>
    %add3A_660 = arith.addi %broadcast_in_dim3A_12, %add3A_659 : vector<16xi32>
    tpu.vector_store_idx %arg10[%add3A_384, %add3A_657, %add3A_660], %gather3A_651 : memref<128x2x3xi32, #tpu.memory_space<vmem>>[vector<16xi32>, vector<16xi32>, vector<16xi32>], vector<16xi32>,
    %mul3A_661 = arith.constant 4 : i32
    %mul3A_662 = vector.broadcast %mul3A_661 : i32 to vector<16xi32>
    %mul3A_663 = arith.muli %scan3A_393#16, %mul3A_662 : vector<16xi32>
    %add3A_664 = arith.constant 1 : i32
    %add3A_665 = vector.broadcast %add3A_664 : i32 to vector<16xi32>
    %add3A_666 = arith.addi %mul3A_663, %add3A_665 : vector<16xi32>
    %gather3A_667 = tpu.vector_load_idx %arg8[%add3A_666] : memref<288xi32, #tpu.memory_space<vmem>>[vector<16xi32>], vector<16xi32>,
    %mul3A_668 = arith.constant 4 : i32
    %mul3A_669 = vector.broadcast %mul3A_668 : i32 to vector<16xi32>
    %mul3A_670 = arith.muli %scan3A_393#18, %mul3A_669 : vector<16xi32>
    %add3A_671 = arith.constant 1 : i32
    %add3A_672 = vector.broadcast %add3A_671 : i32 to vector<16xi32>
    %add3A_673 = arith.addi %mul3A_670, %add3A_672 : vector<16xi32>
    %gather3A_674 = tpu.vector_load_idx %arg8[%add3A_673] : memref<288xi32, #tpu.memory_space<vmem>>[vector<16xi32>], vector<16xi32>,
    %add3A_675 = arith.constant 1 : i32
    %add3A_676 = vector.broadcast %add3A_675 : i32 to vector<16xi32>
    %add3A_677 = arith.addi %broadcast_in_dim3A_12, %add3A_676 : vector<16xi32>
    tpu.vector_store_idx %arg10[%add3A_384, %broadcast_in_dim3A_12, %add3A_677], %gather3A_667 : memref<128x2x3xi32, #tpu.memory_space<vmem>>[vector<16xi32>, vector<16xi32>, vector<16xi32>], vector<16xi32>,
    %add3A_678 = arith.constant 1 : i32
    %add3A_679 = vector.broadcast %add3A_678 : i32 to vector<16xi32>
    %add3A_680 = arith.addi %broadcast_in_dim3A_12, %add3A_679 : vector<16xi32>
    %add3A_681 = arith.constant 1 : i32
    %add3A_682 = vector.broadcast %add3A_681 : i32 to vector<16xi32>
    %add3A_683 = arith.addi %broadcast_in_dim3A_12, %add3A_682 : vector<16xi32>
    tpu.vector_store_idx %arg10[%add3A_384, %add3A_680, %add3A_683], %gather3A_674 : memref<128x2x3xi32, #tpu.memory_space<vmem>>[vector<16xi32>, vector<16xi32>, vector<16xi32>], vector<16xi32>,
    %mul3A_684 = arith.constant 4 : i32
    %mul3A_685 = vector.broadcast %mul3A_684 : i32 to vector<16xi32>
    %mul3A_686 = arith.muli %scan3A_393#16, %mul3A_685 : vector<16xi32>
    %add3A_687 = arith.constant 2 : i32
    %add3A_688 = vector.broadcast %add3A_687 : i32 to vector<16xi32>
    %add3A_689 = arith.addi %mul3A_686, %add3A_688 : vector<16xi32>
    %gather3A_690 = tpu.vector_load_idx %arg8[%add3A_689] : memref<288xi32, #tpu.memory_space<vmem>>[vector<16xi32>], vector<16xi32>,
    %mul3A_691 = arith.constant 4 : i32
    %mul3A_692 = vector.broadcast %mul3A_691 : i32 to vector<16xi32>
    %mul3A_693 = arith.muli %scan3A_393#18, %mul3A_692 : vector<16xi32>
    %add3A_694 = arith.constant 2 : i32
    %add3A_695 = vector.broadcast %add3A_694 : i32 to vector<16xi32>
    %add3A_696 = arith.addi %mul3A_693, %add3A_695 : vector<16xi32>
    %gather3A_697 = tpu.vector_load_idx %arg8[%add3A_696] : memref<288xi32, #tpu.memory_space<vmem>>[vector<16xi32>], vector<16xi32>,
    %add3A_698 = arith.constant 2 : i32
    %add3A_699 = vector.broadcast %add3A_698 : i32 to vector<16xi32>
    %add3A_700 = arith.addi %broadcast_in_dim3A_12, %add3A_699 : vector<16xi32>
    tpu.vector_store_idx %arg10[%add3A_384, %broadcast_in_dim3A_12, %add3A_700], %gather3A_690 : memref<128x2x3xi32, #tpu.memory_space<vmem>>[vector<16xi32>, vector<16xi32>, vector<16xi32>], vector<16xi32>,
    %add3A_701 = arith.constant 1 : i32
    %add3A_702 = vector.broadcast %add3A_701 : i32 to vector<16xi32>
    %add3A_703 = arith.addi %broadcast_in_dim3A_12, %add3A_702 : vector<16xi32>
    %add3A_704 = arith.constant 2 : i32
    %add3A_705 = vector.broadcast %add3A_704 : i32 to vector<16xi32>
    %add3A_706 = arith.addi %broadcast_in_dim3A_12, %add3A_705 : vector<16xi32>
    tpu.vector_store_idx %arg10[%add3A_384, %add3A_703, %add3A_706], %gather3A_697 : memref<128x2x3xi32, #tpu.memory_space<vmem>>[vector<16xi32>, vector<16xi32>, vector<16xi32>], vector<16xi32>,
    "tpu.region"() ({
      %run_scoped3A = tpu.sem_alloc : memref<!tpu.dma_semaphore, #tpu.memory_space<semaphore_mem>>
      %dma_start3A_707 = arith.constant 0 : i32
      %dma_start3A_708 = tpu.memref_slice %arg4[%mul3A_2, %dma_start3A_707] : memref<4096x2xf32, #tpu.memory_space<hbm>> -> memref<128x2xf32, #tpu.memory_space<hbm>>
      %dma_start3A_709 = arith.constant 0 : i32
      %dma_start3A_710 = tpu.memref_slice %arg4[%mul3A_2, %dma_start3A_709] : memref<4096x2xf32, #tpu.memory_space<hbm>> -> memref<128x2xf32, #tpu.memory_space<hbm>>
      tpu.enqueue_dma source(%arg9 : memref<128x2xf32, #tpu.memory_space<vmem>>) target(%dma_start3A_710 : memref<128x2xf32, #tpu.memory_space<hbm>>) target_semaphore(%run_scoped3A : memref<!tpu.dma_semaphore, #tpu.memory_space<semaphore_mem>>)
      %dma_wait3A_711 = arith.constant 0 : i32
      %dma_wait3A_712 = tpu.memref_slice %arg4[%mul3A_2, %dma_wait3A_711] : memref<4096x2xf32, #tpu.memory_space<hbm>> -> memref<128x2xf32, #tpu.memory_space<hbm>>
      %dma_wait3A_713 = arith.constant 0 : i32
      %dma_wait3A_714 = tpu.memref_slice %arg4[%mul3A_2, %dma_wait3A_713] : memref<4096x2xf32, #tpu.memory_space<hbm>> -> memref<128x2xf32, #tpu.memory_space<hbm>>
      tpu.wait_dma2 semaphore(%run_scoped3A : memref<!tpu.dma_semaphore, #tpu.memory_space<semaphore_mem>>) src(%arg9 : memref<128x2xf32, #tpu.memory_space<vmem>>) dst(%dma_wait3A_714 : memref<128x2xf32, #tpu.memory_space<hbm>>)
      tpu.yield
    }) : () -> ()
    "tpu.region"() ({
      %run_scoped3A = tpu.sem_alloc : memref<!tpu.dma_semaphore, #tpu.memory_space<semaphore_mem>>
      %dma_start3A_707 = arith.constant 0 : i32
      %dma_start3A_708 = arith.constant 0 : i32
      %dma_start3A_709 = tpu.memref_slice %arg5[%mul3A_2, %dma_start3A_707, %dma_start3A_708] : memref<4096x2x3xi32, #tpu.memory_space<hbm>> -> memref<128x2x3xi32, #tpu.memory_space<hbm>>
      %dma_start3A_710 = arith.constant 0 : i32
      %dma_start3A_711 = arith.constant 0 : i32
      %dma_start3A_712 = tpu.memref_slice %arg5[%mul3A_2, %dma_start3A_710, %dma_start3A_711] : memref<4096x2x3xi32, #tpu.memory_space<hbm>> -> memref<128x2x3xi32, #tpu.memory_space<hbm>>
      tpu.enqueue_dma source(%arg10 : memref<128x2x3xi32, #tpu.memory_space<vmem>>) target(%dma_start3A_712 : memref<128x2x3xi32, #tpu.memory_space<hbm>>) target_semaphore(%run_scoped3A : memref<!tpu.dma_semaphore, #tpu.memory_space<semaphore_mem>>)
      %dma_wait3A_713 = arith.constant 0 : i32
      %dma_wait3A_714 = arith.constant 0 : i32
      %dma_wait3A_715 = tpu.memref_slice %arg5[%mul3A_2, %dma_wait3A_713, %dma_wait3A_714] : memref<4096x2x3xi32, #tpu.memory_space<hbm>> -> memref<128x2x3xi32, #tpu.memory_space<hbm>>
      %dma_wait3A_716 = arith.constant 0 : i32
      %dma_wait3A_717 = arith.constant 0 : i32
      %dma_wait3A_718 = tpu.memref_slice %arg5[%mul3A_2, %dma_wait3A_716, %dma_wait3A_717] : memref<4096x2x3xi32, #tpu.memory_space<hbm>> -> memref<128x2x3xi32, #tpu.memory_space<hbm>>
      tpu.wait_dma2 semaphore(%run_scoped3A : memref<!tpu.dma_semaphore, #tpu.memory_space<semaphore_mem>>) src(%arg10 : memref<128x2x3xi32, #tpu.memory_space<vmem>>) dst(%dma_wait3A_718 : memref<128x2x3xi32, #tpu.memory_space<hbm>>)
      tpu.yield
    }) : () -> ()
    return
  }
}

module attributes {stable_mosaic.version = 14 : i64} {
  func.func @_logits_body(%arg0: i32, %arg1: memref<1024x2048xf32, #tpu.memory_space<vmem>>, %arg2: memref<2048x72xf32, #tpu.memory_space<vmem>>, %arg3: memref<1024x128xf32, #tpu.memory_space<vmem>>, %arg4: memref<1024x2048xf32, #tpu.memory_space<vmem>>) attributes {dimension_semantics = [#tpu.dimension_semantics<arbitrary>], iteration_bounds = array<i64: 4>, scalar_prefetch = 0 : i64, scratch_operands = 0 : i64, tpu.core_type = #tpu.core_type<tc>, window_params = [{transform_indices = @transform_0, window_bounds = array<i64: 1024, 2048>}, {pipeline_mode = #tpu.pipeline_mode<synchronous>, transform_indices = @transform_1, window_bounds = array<i64: 2048, 72>}, {transform_indices = @transform_2, window_bounds = array<i64: 1024, 128>}, {transform_indices = @transform_3, window_bounds = array<i64: 1024, 2048>}]} {
    %get3A = arith.constant 0 : index
    %get3A_0 = arith.constant 0 : index
    %get3A_1 = vector.load %arg1[%get3A, %get3A_0] : memref<1024x2048xf32, #tpu.memory_space<vmem>>, vector<1024x2048xf32>
    %get3A_2 = arith.constant 0 : index
    %get3A_3 = arith.constant 0 : index
    %get3A_4 = vector.load %arg2[%get3A_2, %get3A_3] : memref<2048x72xf32, #tpu.memory_space<vmem>>, vector<2048x72xf32>
    %dot_general3A = arith.constant dense<0.000000e+00> : vector<1024x72xf32>
    %dot_general3A_5 = tpu.matmul %get3A_1, %get3A_4, %dot_general3A {dimension_numbers = #tpu.dot_dimension_numbers<[1], [0], [0], [1], [0, 0, 1, 1], [], []>, transpose_lhs_hint = false} : vector<1024x2048xf32>, vector<2048x72xf32>, vector<1024x72xf32> -> vector<1024x72xf32>
    %swap3A = arith.constant 0 : index
    %swap3A_6 = arith.constant 0 : index
    %swap3A_7 = vector.load %arg3[%swap3A, %swap3A_6] : memref<1024x128xf32, #tpu.memory_space<vmem>>, vector<1024x72xf32>
    tpu.vector_store %arg3[%swap3A, %swap3A_6], %dot_general3A_5 {strides = array<i32>} : memref<1024x128xf32, #tpu.memory_space<vmem>>, vector<1024x72xf32>,
    %get3A_8 = arith.constant 0 : index
    %get3A_9 = arith.constant 0 : index
    %get3A_10 = vector.load %arg1[%get3A_8, %get3A_9] : memref<1024x2048xf32, #tpu.memory_space<vmem>>, vector<1024x2048xf32>
    %swap3A_11 = arith.constant 0 : index
    %swap3A_12 = arith.constant 0 : index
    %swap3A_13 = vector.load %arg4[%swap3A_11, %swap3A_12] : memref<1024x2048xf32, #tpu.memory_space<vmem>>, vector<1024x2048xf32>
    tpu.vector_store %arg4[%swap3A_11, %swap3A_12], %get3A_10 {strides = array<i32>} : memref<1024x2048xf32, #tpu.memory_space<vmem>>, vector<1024x2048xf32>,
    return
  }
  func.func @transform_0(%arg0: i32) -> (i32, i32) {
    %c0_i32 = arith.constant 0 : i32
    %c0_i32_0 = arith.constant 0 : i32
    return %arg0, %c0_i32 : i32, i32
  }
  func.func @transform_1(%arg0: i32) -> (i32, i32) {
    %c0_i32 = arith.constant 0 : i32
    %c0_i32_0 = arith.constant 0 : i32
    %c0_i32_1 = arith.constant 0 : i32
    return %c0_i32, %c0_i32_0 : i32, i32
  }
  func.func @transform_2(%arg0: i32) -> (i32, i32) {
    %c0_i32 = arith.constant 0 : i32
    %c0_i32_0 = arith.constant 0 : i32
    return %arg0, %c0_i32 : i32, i32
  }
  func.func @transform_3(%arg0: i32) -> (i32, i32) {
    %c0_i32 = arith.constant 0 : i32
    %c0_i32_0 = arith.constant 0 : i32
    return %arg0, %c0_i32 : i32, i32
  }
}

</mosaic_0001>

<sc_bundles>
// kernel: kernel.4.cloned.1.call-start
scs
__scs_entry_jumppad:
0x0: {  	(pc) =	sbr.rel $0x88, $3  }
0x1: {  	(tag) =	ssettag $0x0;
	lr =	simm.s32 $0x1  }
0x2: {  	[smem:$0x3F9E] =	sst lr;
	_ =	strace $0xD0000000  }
0x3: {  	_ = 	snop  }
0x4: {  	_ = 	snop  }
0x5: {  	_ = 	snop  }
0x6: {  	_ = 	snop  }
0x7: {  	_ = 	snop  }
__scs_overlays_trampoline_lowered:
0x8: {  	[smem:$0x3FAD] =	sst s0  }
0x9: {  	[smem:$0x3FAE] =	sst s1  }
0xa: {  	[smem:$0x3FAF] =	sst s2  }
0xb: {  	[smem:$0x3FB0] =	sst s3  }
0xc: {  	[smem:$0x3FB1] =	sst s4  }
0xd: {  	[smem:$0x3FB2] =	sst s5  }
0xe: {  	[smem:$0x3FB3] =	sst s6  }
0xf: {  	[smem:$0x3FB4] =	sst s7  }
0x10: {  	[smem:$0x3FB5] =	sst s8  }
0x11: {  	[smem:$0x3FB6] =	sst s9;
	s0 =	simm.s32 @!p0 $0x0  }
0x12: {  	s1 =	sld [smem:$0x3F9C];
	s0 =	simm.s32 @p0 $0x1  }
0x13: {  	[smem:$0x3FB7] =	sst s0;
	s0 =	simm.s32 @!p1 $0x0  }
0x14: {  	s2 =	sld [smem:$0x3F9B];
	s0 =	simm.s32 @p1 $0x1  }
0x15: {  	[smem:$0x3FB8] =	sst s0;
	s0 =	simm.s32 @!p2 $0x0  }
0x16: {  	s3 =	sld [smem:$0x3FDB];
	s0 =	simm.s32 @p2 $0x1  }
0x17: {  	s4 =	simm.s32 $0x1BF5;
	[smem:$0x3FBA] =	sst s0  }
0x18: {  	s0 =	sld [smem:$0x3F9D];
	_ =	swait.ge [sflag:s4], $0x0  }
0x19: {  	s7 =	sld [smem:$0x3F9E]  }
0x1a: {  	s8 =	sadd.s32 $0xFFFFE003, lr  }
0x1b: {  	s9 =	sadd.s32 $0xFFFFFEF7, lr;
	s5 =	simm.s32 $0xFFFFFFFF;
	p2 =	slt.u32 s8, $0xFFFFF086  }
0x1c: {  	p1 =	slt.u32 s9, $0xF7A;
	s5 =	simm.s32 @!p2 $0x0  }
0x1d: {  	s5 =	simm.s32 @p1 $0x1;
	p0 =	seq.s32 s7, s2  }
0x1e: {  	s7 =	smul.u32 @!p0 $0xF7A, s2;
	p2 =	seq.s32 @!p0 s5, $0x0  }
0x1f: {  	s9 =	smul.u32 $0xF7A, s1;
	s8 =	simm.s32 @!p0 $0x1BF5;
	p2 =	por !p2, p0  }
0x20: {  	[sflag:s8] =	ssyncset.s32 @!p0 $0xFFFFF086;
	s6 =	sadd.s32 @!p0 s3, s7;
	s7 =	simm.s32 @!p0 $0x108  }
0x21: {  	s3 =	sadd.s32 s3, s9;
	s6 =	sadd.s32 @!p0 $0x88, s6;
	s7 =	simm.s32 @p2 $0x1082  }
0x22: {  	[simem:s7], [sflag:s8] =	dma.local @!p0 [hbm:s6], $0xF7A  }
0x23: {  	s9 =	sor.u32 $0xD0000000, s2;
	s6 =	simm.s32 $0x108;
	_ =	swait.ge @!p0 [sflag:s8], $0x0  }
0x24: {  	s3 =	sadd.s32 $0x88, s3;
	s6 =	simm.s32 @!p1 $0x1082;
	[sflag:s4] =	ssyncset.s32 $0xFFFFF086  }
0x25: {  	[simem:s6], [sflag:s4] =	dma.local [hbm:s3], $0xF7A  }
0x26: {  	[smem:$0x3F9E] =	sst s1;
	(tag) =	ssettag s2;
	_ =	strace s9  }
0x27: {  	s1 =	sld [smem:$0x3FAE]  }
0x28: {  	s2 =	sld [smem:$0x3FAF]  }
0x29: {  	s4 =	sld [smem:$0x3FB1]  }
0x2a: {  	p0 =	seq.s32 s5, $0x0;
	s5 =	sld [smem:$0x3FB2]  }
0x2b: {  	s6 =	sld [smem:$0x3FB3]  }
0x2c: {  	s7 =	sld [smem:$0x3FB4]  }
0x2d: {  	s3 =	simm.s32 $0x108;
	s8 =	sld [smem:$0x3FB5]  }
0x2e: {  	s3 =	simm.s32 @!p0 $0x1082;
	s9 =	sld [smem:$0x3FB6]  }
0x2f: {  	lr =	sadd.s32 s0, s3;
	s0 =	sld [smem:$0x3FAD]  }
0x30: {  	s3 =	sld [smem:$0x3FB0]  }
0x31: {  	[smem:$0x3FB9] =	sst s10  }
0x32: {  	s10 =	sld [smem:$0x3FB7];
	_ =	sdelay $0x3  }
0x33: {  	p0 =	seq.s32 s10, $0x1;
	s10 =	sld [smem:$0x3FB9];
	_ =	sdelay $0x3  }
0x34: {  	[smem:$0x3FB9] =	sst s10  }
0x35: {  	s10 =	sld [smem:$0x3FB8];
	_ =	sdelay $0x3  }
0x36: {  	p1 =	seq.s32 s10, $0x1;
	s10 =	sld [smem:$0x3FB9];
	_ =	sdelay $0x3  }
0x37: {  	[smem:$0x3FB9] =	sst s10  }
0x38: {  	s10 =	sld [smem:$0x3FBA]  }
0x39: {  	_ = 	snop;
	(pc) =	sbr.ind lr, $3  }
0x3a: {  	_ = 	snop  }
0x3b: {  	_ = 	snop  }
0x3c: {  	p2 =	seq.s32 s10, $0x1;
	s10 =	sld [smem:$0x3FB9]  }
0x3d: {  	_ =	shalt  }
0x3e: {  	_ =	shalt  }
0x3f: {  	_ =	shalt  }
0x40: {  	_ =	shalt  }
0x41: {  	_ =	shalt  }
0x42: {  	_ =	shalt  }
0x43: {  	_ =	shalt  }
0x44: {  	_ =	shalt  }
0x45: {  	_ =	shalt  }
0x46: {  	_ =	shalt  }
0x47: {  	_ =	shalt  }
0x48: {  	_ =	shalt  }
0x49: {  	_ =	shalt  }
0x4a: {  	_ =	shalt  }
0x4b: {  	_ =	shalt  }
0x4c: {  	_ =	shalt  }
0x4d: {  	_ =	shalt  }
0x4e: {  	_ =	shalt  }
0x4f: {  	_ =	shalt  }
0x50: {  	_ =	shalt  }
0x51: {  	_ =	shalt  }
0x52: {  	_ =	shalt  }
0x53: {  	_ =	shalt  }
0x54: {  	_ =	shalt  }
0x55: {  	_ =	shalt  }
0x56: {  	_ =	shalt  }
0x57: {  	_ =	shalt  }
0x58: {  	_ =	shalt  }
0x59: {  	_ =	shalt  }
0x5a: {  	_ =	shalt  }
0x5b: {  	_ =	shalt  }
0x5c: {  	_ =	shalt  }
0x5d: {  	_ =	shalt  }
0x5e: {  	_ =	shalt  }
0x5f: {  	_ =	shalt  }
0x60: {  	_ =	shalt  }
0x61: {  	_ =	shalt  }
0x62: {  	_ =	shalt  }
0x63: {  	_ =	shalt  }
0x64: {  	_ =	shalt  }
0x65: {  	_ =	shalt  }
0x66: {  	_ =	shalt  }
0x67: {  	_ =	shalt  }
0x68: {  	_ =	shalt  }
0x69: {  	_ =	shalt  }
0x6a: {  	_ =	shalt  }
0x6b: {  	_ =	shalt  }
0x6c: {  	_ =	shalt  }
0x6d: {  	_ =	shalt  }
0x6e: {  	_ =	shalt  }
0x6f: {  	_ =	shalt  }
0x70: {  	_ =	shalt  }
0x71: {  	_ =	shalt  }
0x72: {  	_ =	shalt  }
0x73: {  	_ =	shalt  }
0x74: {  	_ =	shalt  }
0x75: {  	_ =	shalt  }
0x76: {  	_ =	shalt  }
0x77: {  	_ =	shalt  }
0x78: {  	_ =	shalt  }
0x79: {  	_ =	shalt  }
0x7a: {  	_ =	shalt  }
0x7b: {  	_ =	shalt  }
0x7c: {  	_ =	shalt  }
0x7d: {  	_ =	shalt  }
0x7e: {  	_ =	shalt  }
0x7f: {  	_ =	shalt  }
0x80: {  	_ =	shalt  }
0x81: {  	_ =	shalt  }
0x82: {  	_ =	shalt  }
0x83: {  	_ =	shalt  }
0x84: {  	_ =	shalt  }
0x85: {  	_ =	shalt  }
0x86: {  	_ =	shalt  }
0x87: {  	_ =	shalt  }
.Lfunc_end0:
.L_simem_size_0:
called_computation_lowered:
.L_overlay_start_0:
0x88: {  	s2 =	sld [smem:$0x3FD9]  }
0x89: {  	s3 =	sld [smem:$0x3FFE];
	_ =	sdelay $0x1  }
0x8a: {  	s1 =	srdreg.scid  }
0x8b: {  	s0 =	sand.u32 $0x1, s1  }
0x8c: {  	s14 =	sshll.u32 s0, $0xA;
	s2 =	sadd.s32 s3, s2  }
0x8d: {  	s2 =	sadd.s32 s2, s14  }
0x8e: {  	[smem:$0x3FC5] =	sst s2  }
0x8f: {  	_ = 	snop  }
0x90: {  	s2 =	sld [smem:$0x3FD0];
	_ =	sdelay $0x2  }
0x91: {  	s15 =	simm.s32 $0xA;
	s4 =	simm.s32 $0x10  }
0x92: {  	[smem:s4], [sflag:s15] =	dma.local [hbm:s2], $0x1  }
0x93: {  	_ =	swait.eq [sflag:s15], $0x1  }
0x94: {  	[sflag:s15] =	ssyncset.done $0x0  }
0x95: {  	[sflag:s15] =	ssyncadd.s32 $0xFFFFFFFF  }
0x96: {  	s16 =	sld [smem:$0x11];
	(tm) =	ssettm $0x1  }
0x97: {  	s17 =	sld [smem:$0x3FFB];
	_ =	sdelay $0x3  }
0x98: {  	_ =	strace s17  }
0x99: {  	s3 =	sld [smem:$0x3FFC];
	_ =	sdelay $0x3  }
0x9a: {  	_ =	strace s3  }
0x9b: {  	s3 =	sld [smem:$0x3FFD];
	_ =	sdelay $0x3  }
0x9c: {  	_ =	strace s3  }
0x9d: {  	_ =	strace $0x8FFFFFFF  }
0x9e: {  	s18 =	sld [smem:$0x3FDB];
	_ =	sdelay $0x1  }
0x9f: {  	s19 =	simm.s32 $_scs_section_size  }
0xa0: {  	s5 =	simm.s32 $_size__tile_overlayer_lowered;
	s6 =	simm.s32 $_tile_overlayer_lowered  }
0xa1: {  	s22 =	simm.s32 $0x1BFF;
	s21 =	sshll.u32 s6, $0x1;
	s3 =	sadd.s32 s19, s18  }
0xa2: {  	s7 =	simm.s32 $0x0;
	s20 =	sshll.u32 s5, $0x1;
	s5 =	sadd.s32 s21, s3  }
0xa3: {  	[timem:s7], [sflag:s22] =	dma.local [hbm:s5], s20  }
0xa4: {  	_ =	swait.ge [sflag:s22], s20  }
0xa5: {  	s4 =	ssub.s32 $0x0, s20;
	[sflag:s22] =	ssyncset.done $0x0  }
0xa6: {  	[sflag:s22] =	ssyncadd.s32 s4;
	_ =	sdelay $0x1  }
0xa7: {  	s23 =	simm.s32 $0x1B8B  }
0xa8: {  	_ =	swait.ge [sflag:s23], $0x1  }
0xa9: {  	[sflag:s23] =	ssyncset.done $0x0  }
0xaa: {  	s25 =	simm.s32 $0x1B8E;
	s24 =	sld [smem:$0x3FFE];
	[sflag:s23] =	ssyncadd.s32 $0xFFFFFFFF  }
0xab: {  	s26 =	simm.s32 $execute0_lowered;
	[smem:$0x3FD2] =	sst s25  }
0xac: {  	s5 =	sshll.u32 s26, $0x1;
	_ =	strace $0x80000046;
	[dreg:$0x1] =	wrdreg $0xFFFFFFFF  }
0xad: {  	s28 =	simm.s32 $_size_execute0_lowered;
	s3 =	sadd.s32 s3, s5;
	[dreg:$0x0] =	wrdreg $0x0  }
0xae: {  	s5 =	sshll.u32 s28, $0x1;
	[dreg:$0x2] =	wrdreg s3  }
0xaf: {  	[dreg:$0x3] =	wrdreg s5  }
0xb0: {  	[dreg:$0x4] =	wrdreg $0xC0  }
0xb1: {  	_ =	task [dreg:s7], $0x5FFFF  }
0xb2: {  	[dreg:$0x1] =	wrdreg $0xFFFFFFFF  }
0xb3: {  	[dreg:$0x0] =	wrdreg $0x60  }
0xb4: {  	[dreg:$0x2] =	wrdreg s24  }
0xb5: {  	[dreg:$0x3] =	wrdreg s16  }
0xb6: {  	[dreg:$0x4] =	wrdreg $0x9  }
0xb7: {  	_ =	task.clear_ibuf [dreg:s7], $0x5FFFF;
	_ =	strace $0x90000046  }
0xb8: {  	s29 =	simm.s32 $0x9;
	_ =	strace $0x80000048  }
0xb9: {  	_ =	swait.ge [sflag:s29], $0x1  }
0xba: {  	[sflag:s29] =	ssyncadd.s32 $0xFFFFFFFF  }
0xbb: {  	_ =	strace $0x90000048  }
0xbc: {  	_ =	sfence  }
0xbd: {  	s30 =	sld [smem:$0x0];
	_ =	sdelay $0x2  }
0xbe: {  	s31 =	sshll.u32 s1, $0xD;
	s1 =	sshrl.u32 s1, $0x2  }
0xbf: {  	s3 =	sand.u32 $0x4000, s31;
	s1 =	sadd.s32 s1, s30  }
0xc0: {  	s0 =	sor.u32 s3, s0;
	s1 =	sshll.u32 s1, $0x11  }
0xc1: {  	s0 =	sor.u32 s1, s0  }
0xc2: {  	s0 =	sadd.s32 $0x8F2B, s0  }
0xc3: {  	[sflag:s0] =	ssyncadd.remote.s32 $0x1  }
0xc4: {  	_ =	sfence.sel $0xFFFF  }
0xc5: {  	[dreg:$0x0] =	wrdreg $0xFFFFFFFF;
	(pc) =	sbr.abs _section_cstart, $3  }
0xc6: {  	[dreg:$0x1] =	wrdreg $0xFFFFFFFF  }
0xc7: {  	_ =	task.clear_ibuf [dreg:s7], $0x2FFFF;
	_ =	strace $0x9FFFFFFF  }
0xc8: {  	(tm) =	ssettm $0x7FFFFFFF  }
0xc9: {  	_ =	shalt  }
tec
execute0_lowered:
.L_overlay_start_1:
0x0: {  	(tag) =	ssettag $0x1  }
0x1: {  	s4 =	rddreg [dreg:$0x0]  }
0x2: {  	s2 =	rddreg [dreg:$0x1];
	s3 =	srdreg.scid;
	v2 =	vlaneseq.u32  }
0x3: {  	s0 =	rddreg [dreg:$0x2];
	s1 =	stileid.u32;
	v0 =	vmul.u32 $0x80, v2  }
0x4: {  	s10 =	simm.s32 $0x4000;
	s11 =	simm.s32 $0x3;
	s12 =	simm.s32 $0x1  }
0x5: {  	s13 =	simm.s32 $0x4180;
	s14 =	simm.s32 $0x8180;
	s15 =	simm.s32 $0x2;
	v2 =	vmul.u32 $0x100, v2;
	v1 =	vor.u32 $0x800, v0  }
0x6: {  	s16 =	simm.s32 $0x0;
	s5 =	sand.u32 $0x1, s3;
	s3 =	simm.s32 $0x0;
	v3 =	vor.u32 $0x1000, v0;
	v4 =	vor.u32 $0x1800, v0;
	v5 =	vor.u32 $0x1, v0  }
0x7: {  	s6 =	sshll.u32 s1, $0x8;
	s7 =	sshll.u32 s5, $0x7;
	[smem:$0x7FF] =	sst s3;
	v10 =	vor.u32 $0x82, v2;
	v11 =	vor.u32 $0x801, v0;
	v12 =	vor.u32 $0x1000, v2  }
0x8: {  	s5 =	ssub.s32 $0x2, s5;
	s6 =	sor.u32 s7, s6;
	_ =	strace $0x80000047;
	v13 =	vor.u32 $0x1080, v2;
	v14 =	vor.u32 $0x1001, v2;
	[tilespmem:$0x1FFB0] =	vst v5;
	v5 =	vor.u32 $0x80, v2  }
0x9: {  	s8 =	sshrl.u32 s5, $0x1;
	v15 =	vor.u32 $0x1081, v2;
	v16 =	vor.u32 $0x1002, v2;
	s7 =	sshll.u32 s6, $0x4;
	s6 =	sshll.u32 s6, $0x5;
	[tilespmem:$0x1FFC0] =	vst v5;
	v5 =	vor.u32 $0x1, v2  }
0xa: {  	v17 =	vor.u32 $0x1082, v2;
	v18 =	vor.u32 $0x1001, v0;
	s8 =	ssub.s32 s5, s8;
	s7 =	sadd.s32 s7, s4;
	s9 =	sadd.s32 s6, s4;
	[tilespmem:$0x1FFD0] =	vst v5;
	v5 =	vor.u32 $0x81, v2  }
0xb: {  	v20 =	vor.u32 $0x2080, v2;
	v21 =	vor.u32 $0x2001, v2;
	s8 =	smax.u32 s8, $0x1;
	s4 =	sadd.s32 $0xC00, s7;
	s5 =	sadd.s32 $0x1000, s7;
	[tilespmem:$0x1FFE0] =	vst v5;
	v5 =	vor.u32 $0x2, v2  }
0xc: {  	v19 =	vor.u32 $0x2000, v2;
	v22 =	vor.u32 $0x2081, v2;
	v23 =	vor.u32 $0x2002, v2;
	s6 =	sadd.s32 $0x10C00, s7;
	s7 =	sadd.s32 $0x20C00, s9;
	s9 =	simm.s32 $0x2000;
	[tilespmem:$0x1FFF0] =	vst v5  }
.LBB2_1:
0xd: {  	[tilespmem:s3], [sflag:$0x1] =	stream.linear.gather [hbm4b:s4+s3], $0x2000, $0x38;
	[tilespmem:$0x10180] =	vst v63  }
0xe: {  	_ = 	snop  }
0xf: {  	[tilespmem:s9], [sflag:$0x2] =	stream.linear.gather [hbm4b:s5+s3], $0x2000, $0x38;
	[tilespmem:$0x10180] =	vst v63  }
0x10: {  	_ = 	snop  }
0x11: {  	[tilespmem:s10], [sflag:$0x3] =	stream.linear.gather [hbm4b:s2+s3], $0x180, $0x38;
	[tilespmem:$0x10180] =	vst v63  }
0x12: {  	_ =	swait.ge [sflag:s11], $0x180  }
0x13: {  	v24 =	vor.u32 s3, v4;
	[sflag:s11] =	ssyncset.done $0x0  }
0x14: {  	v25 =	vor.u32 s3, v3;
	[sflag:s11] =	ssyncadd.s32 $0xFFFFFE80  }
0x15: {  	_ =	swait.ge [sflag:s12], $0x2000  }
0x16: {  	[sflag:s12] =	ssyncset.done $0x0  }
0x17: {  	[sflag:s12] =	ssyncadd.s32 $0xFFFFE000  }
0x18: {  	v24 =	vld.idx.msk [tilespmem:v24+s3+$0x0], $0xffff  }
0x19: {  	v27 =	vld.idx.msk [tilespmem:v25+s3+$0x0], $0xffff  }
0x1a: {  	v26 =	vimm.f32 $-1.000000020e+30;
	v25 =	vor.u32 s3, v1  }
0x1b: {  	v28 =	vimm.s32 $0x0;
	v40 =	vimm.f32 $0.0e+00;
	v31 =	vor.u32 s3, v0;
	s17 =	simm.s32 $0x1  }
0x1c: {  	v51 =	vimm.f32 $0.0e+00;
	v46 =	vor.u32 s17, v3;
	v58 =	vor.u32 s17, v1  }
0x1d: {  	v33 =	vmax.f32 v24, v26;
	v30 =	vmin.f32 v24, v26;
	vm0 =	vgt.f32 v24, v26  }
0x1e: {  	v47 =	vmax.f32 v27, v26;
	v39 =	vmin.f32 v27, v26;
	v29 =	vsub.f32 v24, v33  }
0x1f: {  	v35 =	vld.idx.msk [tilespmem:v25+s3+$0x0], $0xffff;
	v24 =	vsub.f32 v26, v33;
	v36 =	vmax.f32 v30, v26;
	v38 =	vsel vm0, s3, v28  }
0x20: {  	vm1 =	vgt.f32 v30, v26;
	v25 =	vsub.f32 v26, v47;
	v29 =	vmul.f32 $1.442695020e+00, v29  }
0x21: {  	v30 =	vmul.f32 $1.442695020e+00, v24;
	v24 =	vnsel vm0, s3, v28;
	vm0 =	vgt.f32 v27, v26  }
0x22: {  	v27 =	vsub.f32 v27, v47;
	v24 =	vsel vm1, v24, v28;
	(erf) = vpow2.f32 v29  }
0x23: {  	v44 =	vnsel vm0, s3, v28;
	v29 =	vor.u32 s17, v4;
	(erf) = vpow2.f32 v30;
	v30 =	vld.idx.msk [tilespmem:v31+s3+$0x0], $0xffff  }
0x24: {  	v32 =	vmax.f32 v35, v26;
	v62 =	vmul.f32 $1.442695020e+00, v27;
	v31 =	vmul.f32 $1.442695020e+00, v25  }
0x25: {  	v25 =	vsel vm0, s3, v28;
	vm0 =	vgt.f32 v35, v26;
	v48 =	vsub.f32 v35, v32  }
0x26: {  	v37 =	vsub.f32 v26, v32;
	(erf) = vpow2.f32 v31;
	v31 =	vmin.f32 v35, v26  }
0x27: {  	v35 =	vsel vm0, s3, v28;
	v48 =	vmul.f32 $1.442695020e+00, v48;
	v34 =	vmax.f32 v31, v26  }
0x28: {  	v50 =	vld.idx.msk [tilespmem:v29+s3+$0x0], $0xffff;
	v29 =	vmul.f32 $1.442695020e+00, v37;
	vm1 =	vgt.f32 v30, v26;
	v59 =	vmin.f32 v30, v26  }
0x29: {  	v42 =	vmax.f32 v30, v26;
	v45 =	vmax.f32 v59, v26;
	v41 =	vsel vm1, s3, v28  }
0x2a: {  	v49 =	vsub.f32 v26, v42;
	vm2 =	vgt.f32 v59, v26;
	v60 =	vnsel vm1, s3, v28  }
0x2b: {  	v30 =	vsub.f32 v30, v42;
	(erf) = vpow2.f32 v29;
	vm1 =	vgt.f32 v31, v26  }
0x2c: {  	v31 =	vmax.f32 v39, v26;
	v59 =	vor.u32 s17, v0;
	v61 =	vmul.f32 $1.442695020e+00, v49  }
0x2d: {  	v43 =	vsel vm2, v60, v28;
	v29 =	vmul.f32 $1.442695020e+00, v30;
	v30 =	vnsel vm0, s3, v28  }
0x2e: {  	vm0 =	vgt.f32 v39, v26;
	v27 =	vmax.f32 v50, v33;
	(erf) = vpow2.f32 v61  }
0x2f: {  	v56 =	vmovc v32;
	v37 =	vsel vm1, v30, v28;
	vm1 =	vgt.f32 v50, v33;
	v26 =	vsub.f32 v50, v27  }
0x30: {  	v55 =	vmovc v42;
	v52 =	vmovc v45;
	v63 =	vmin.f32 v50, v33;
	v33 =	vsub.f32 v33, v27;
	(erf) = vpow2.f32 v48  }
0x31: {  	v53 =	vmovc v41;
	v49 =	vld.idx.msk [tilespmem:v46+s3+$0x0], $0xffff;
	v46 =	vmovc v34;
	v50 =	vnsel vm1, s17, v38;
	(erf) = vpow2.f32 v29;
	v48 =	vmul.f32 $1.442695020e+00, v26  }
0x32: {  	v30 =	vpop (erf);
	v29 =	vsel vm0, v44, v28;
	v28 =	vmax.f32 v63, v36;
	(erf) = vpow2.f32 v62  }
0x33: {  	v39 =	vpop (erf);
	v26 =	vsel vm1, s17, v38;
	vm0 =	vgt.f32 v63, v36;
	v60 =	vmul.f32 $1.442695020e+00, v33  }
0x34: {  	v36 =	vmov v47;
	v44 =	vimm.f32 $0.0e+00;
	v33 =	vimm.f32 $0.0e+00;
	v54 =	vpop (erf)  }
0x35: {  	s18 =	simm.s32 $0x2;
	v38 =	vmov v31;
	(erf) = vpow2.f32 v48;
	v57 =	vpop (erf);
	v48 =	vmov v35  }
.LBB2_2:
0x36: {  	v61 =	vor.u32 s18, v4  }
0x37: {  	v24 =	vsel vm0, v50, v24;
	(erf) = vpow2.f32 v60;
	v50 =	vpop (erf);
	v47 =	vmax.f32 v49, v47  }
0x38: {  	p0 =	sne.s32 s18, $0x47;
	v40 =	vmul.f32 v50, v40;
	v50 =	vmul.f32 v57, v51;
	v57 =	vsub.f32 v36, v47  }
0x39: {  	v58 =	vld.idx.msk [tilespmem:v58+s3+$0x0], $0xffff;
	v51 =	vpop (erf)  }
0x3a: {  	v44 =	vmul.f32 v54, v44;
	v33 =	vmul.f32 v39, v33;
	v39 =	vpop (erf)  }
0x3b: {  	vm0 =	vgt.f32 v49, v36;
	v54 =	vld.idx.msk [tilespmem:v59+s3+$0x0], $0xffff;
	v40 =	vadd.f32 v40, v39;
	v51 =	vadd.f32 v50, v51;
	v39 =	vpop (erf)  }
0x3c: {  	v60 =	vmovc v28;
	v33 =	vadd.f32 v33, v30;
	v50 =	vmul.f32 $1.442695020e+00, v57;
	v44 =	vadd.f32 v44, v39;
	v57 =	vmovc v27  }
0x3d: {  	v63 =	vmovc v26;
	v62 =	vnsel vm0, s17, v25;
	v25 =	vsel vm0, s17, v25;
	v59 =	vmin.f32 v49, v36;
	v36 =	vmovc v47  }
0x3e: {  	v5 =	vor.u32 s18, v3;
	v49 =	vsub.f32 v49, v47;
	(erf) = vpow2.f32 v50  }
0x3f: {  	vm0 =	vgt.f32 v58, v32;
	v56 =	vmax.f32 v58, v56;
	v50 =	vmin.f32 v58, v32  }
0x40: {  	v6 =	vsub.f32 v32, v56;
	v58 =	vsub.f32 v58, v56;
	v34 =	vmax.f32 v50, v34;
	v30 =	vpop (erf)  }
0x41: {  	vm1 =	vgt.f32 v54, v42;
	v7 =	vmin.f32 v54, v42;
	v55 =	vmax.f32 v54, v55;
	v39 =	vpop (erf)  }
0x42: {  	v32 =	vmovc v56;
	v45 =	vmax.f32 v7, v45;
	v41 =	vsel vm1, s17, v41;
	v8 =	vsub.f32 v42, v55;
	v42 =	vmovc v55  }
0x43: {  	vm2 =	vgt.f32 v7, v52;
	v7 =	vnsel vm1, s17, v53;
	v6 =	vmul.f32 $1.442695020e+00, v6;
	v52 =	vmovc v45;
	v53 =	vmovc v41;
	v61 =	vld.idx.msk [tilespmem:v61+s3+$0x0], $0xffff  }
0x44: {  	v43 =	vsel vm2, v7, v43;
	v7 =	vmul.f32 $1.442695020e+00, v8;
	v8 =	vsub.f32 v54, v55  }
0x45: {  	v35 =	vsel vm0, s17, v35;
	v9 =	vmul.f32 $1.442695020e+00, v58;
	(erf) = vpow2.f32 v6  }
0x46: {  	vm1 =	vgt.f32 v50, v46;
	v46 =	vmovc v34;
	v6 =	vmul.f32 $1.442695020e+00, v8;
	(erf) = vpow2.f32 v7  }
0x47: {  	v8 =	vmul.f32 $1.442695020e+00, v49;
	v7 =	vnsel vm0, s17, v48;
	s17 =	smov.u32 s18;
	(erf) = vpow2.f32 v9;
	v54 =	vpop (erf)  }
0x48: {  	v31 =	vmax.f32 v59, v31;
	v48 =	vmovc v35;
	v37 =	vsel vm1, v7, v37;
	(erf) = vpow2.f32 v6  }
0x49: {  	vm0 =	vgt.f32 v59, v38;
	v38 =	vmovc v31;
	v27 =	vmax.f32 v61, v27;
	(erf) = vpow2.f32 v8  }
.Ltmp0:
0x4a: {  	v29 =	vsel vm0, v62, v29;
	vm1 =	vgt.f32 v61, v57;
	v49 =	vld.idx.msk [tilespmem:v5+s3+$0x0], $0xffff;
	v5 =	vsub.f32 v61, v27;
	(pc) =	sbr.rel @p0 .LBB2_2-.Ltmp0, $4  }
0x4b: {  	v58 =	vor.u32 s18, v1;
	v6 =	vmin.f32 v61, v57;
	v7 =	vsub.f32 v57, v27  }
0x4c: {  	v28 =	vmax.f32 v6, v28;
	v26 =	vsel vm1, s18, v26;
	v5 =	vmul.f32 $1.442695020e+00, v5  }
0x4d: {  	v59 =	vor.u32 s18, v0;
	vm0 =	vgt.f32 v6, v60;
	v60 =	vmul.f32 $1.442695020e+00, v7  }
0x4e: {  	v50 =	vnsel vm1, s17, v63;
	s18 =	sadd.s32 $0x1, s18;
	(erf) = vpow2.f32 v5;
	v57 =	vpop (erf)  }
0x4f: {  	_ =	sdelay $0x3  }
0x50: {  	v5 =	vld.idx.msk [tilespmem:v58+s3+$0x0], $0xffff  }
0x51: {  	v6 =	vld.idx.msk [tilespmem:v59+s3+$0x0], $0xffff;
	_ =	sdelay $0x1  }
0x52: {  	v7 =	vmax.f32 v49, v47  }
0x53: {  	v8 =	vsub.f32 v36, v7;
	_ =	sdelay $0x1  }
0x54: {  	v8 =	vmul.f32 $1.442695020e+00, v8;
	v47 =	vmax.f32 v5, v56;
	v55 =	vmax.f32 v6, v55  }
0x55: {  	(erf) = vpow2.f32 v60;
	v56 =	vsub.f32 v32, v47;
	v63 =	vsub.f32 v42, v55  }
0x56: {  	(erf) = vpow2.f32 v8  }
0x57: {  	v61 =	vsub.f32 v5, v47;
	v56 =	vmul.f32 $1.442695020e+00, v56;
	v8 =	vmul.f32 $1.442695020e+00, v63  }
0x58: {  	v62 =	vsub.f32 v6, v55  }
0x59: {  	v59 =	vmul.f32 $1.442695020e+00, v61;
	(erf) = vpow2.f32 v56  }
0x5a: {  	v63 =	vmul.f32 $1.442695020e+00, v62;
	(erf) = vpow2.f32 v8  }
0x5b: {  	v8 =	vpop (erf);
	(erf) = vpow2.f32 v59  }
0x5c: {  	v58 =	vpop (erf);
	(erf) = vpow2.f32 v63  }
0x5d: {  	v56 =	vpop (erf)  }
0x5e: {  	v59 =	vpop (erf)  }
0x5f: {  	v60 =	vpop (erf)  }
0x60: {  	v8 =	vmul.f32 v8, v40;
	v40 =	vpop (erf)  }
0x61: {  	v61 =	vpop (erf)  }
0x62: {  	v8 =	vadd.f32 v8, v56;
	v56 =	vpop (erf)  }
0x63: {  	v62 =	vsub.f32 v49, v7;
	v63 =	vmin.f32 v6, v42;
	v9 =	vpop (erf)  }
0x64: {  	v45 =	vmax.f32 v63, v45;
	v8 =	vmul.f32 v9, v8;
	v9 =	vpop (erf)  }
0x65: {  	v62 =	vmul.f32 $1.442695020e+00, v62;
	v45 =	vsub.f32 v45, v55;
	v55 =	vpop (erf)  }
0x66: {  	v8 =	vadd.f32 v8, v55  }
0x67: {  	(erf) = vpow2.f32 v62;
	v45 =	vmul.f32 $1.442695020e+00, v45  }
0x68: {  	(erf) = vrcp.f32 v8  }
0x69: {  	(erf) = vpow2.f32 v45;
	_ =	sdelay $0x2  }
0x6a: {  	vm1 =	vgt.f32 v6, v42  }
0x6b: {  	v8 =	vnsel vm1, s17, v53;
	v53 =	vld [tilespmem:$0x1FFB0];
	_ =	sdelay $0x2  }
0x6c: {  	v6 =	vsel vm1, s17, v41;
	v41 =	vpop (erf)  }
0x6d: {  	vm2 =	vgt.f32 v63, v52;
	v45 =	vpop (erf)  }
0x6e: {  	v6 =	vshll.u32 v6, $0x2;
	v8 =	vsel vm2, v8, v43;
	v52 =	vpop (erf)  }
0x6f: {  	v55 =	vmul.f32 v57, v51;
	v8 =	vshll.u32 v8, $0x2;
	v43 =	vmul.f32 v45, v52  }
0x70: {  	[tilespmem:v0+s13+$0x0] =	vst.idx.msk $0xffff, v45  }
0x71: {  	v63 =	vld [tilespmem:$0x1FFC0];
	[tilespmem:v53+s13+$0x0] =	vst.idx.msk $0xffff, v43;
	v43 =	vadd.f32 v55, v58;
	_ =	sdelay $0x1  }
0x72: {  	v42 =	vld.idx.msk [tilespmem:v6+s10+$0x0], $0xffff;
	v43 =	vmul.f32 v56, v43  }
0x73: {  	v45 =	vld.idx.msk [tilespmem:v8+s10+$0x0], $0xffff  }
0x74: {  	v57 =	vor.u32 $0x1, v6;
	v9 =	vadd.f32 v43, v9;
	_ =	sdelay $0x1  }
0x75: {  	(erf) = vrcp.f32 v9;
	v9 =	vld [tilespmem:$0x1FFD0]  }
0x76: {  	[tilespmem:v2+s14+$0x0] =	vst.idx.msk $0xffff, v42  }
0x77: {  	v58 =	vor.u32 $0x1, v8;
	[tilespmem:v63+s14+$0x0] =	vst.idx.msk $0xffff, v45  }
0x78: {  	v42 =	vld.idx.msk [tilespmem:v57+s10+$0x0], $0xffff;
	_ =	sdelay $0x3  }
0x79: {  	v62 =	vmin.f32 v5, v32;
	v52 =	vld.idx.msk [tilespmem:v58+s10+$0x0], $0xffff  }
0x7a: {  	v34 =	vmax.f32 v62, v34;
	[tilespmem:v9+s14+$0x0] =	vst.idx.msk $0xffff, v42;
	v9 =	vld [tilespmem:$0x1FFE0]  }
0x7b: {  	v34 =	vsub.f32 v34, v47;
	_ =	sdelay $0x1  }
0x7c: {  	v34 =	vmul.f32 $1.442695020e+00, v34  }
0x7d: {  	v6 =	vor.u32 $0x2, v6  }
0x7e: {  	v8 =	vor.u32 $0x2, v8;
	(erf) = vpow2.f32 v34  }
0x7f: {  	v55 =	vld [tilespmem:$0x1FFF0];
	_ =	sdelay $0x1  }
0x80: {  	[tilespmem:v9+s14+$0x0] =	vst.idx.msk $0xffff, v52  }
0x81: {  	v6 =	vld.idx.msk [tilespmem:v6+s10+$0x0], $0xffff  }
0x82: {  	v8 =	vld.idx.msk [tilespmem:v8+s10+$0x0], $0xffff  }
0x83: {  	vm1 =	vgt.f32 v5, v32  }
0x84: {  	v5 =	vsel vm1, s17, v35;
	vm2 =	vgt.f32 v62, v46;
	v9 =	vnsel vm1, s17, v48  }
0x85: {  	v5 =	vshll.u32 v5, $0x2;
	v53 =	vpop (erf);
	v9 =	vsel vm2, v9, v37  }
0x86: {  	v9 =	vshll.u32 v9, $0x2;
	[tilespmem:v55+s14+$0x0] =	vst.idx.msk $0xffff, v6;
	v6 =	vpop (erf)  }
0x87: {  	[tilespmem:v10+s14+$0x0] =	vst.idx.msk $0xffff, v8;
	v6 =	vmul.f32 v53, v6  }
0x88: {  	[tilespmem:v1+s13+$0x0] =	vst.idx.msk $0xffff, v53  }
0x89: {  	[tilespmem:v11+s13+$0x0] =	vst.idx.msk $0xffff, v6  }
0x8a: {  	v6 =	vld.idx.msk [tilespmem:v5+s10+$0x0], $0xffff  }
0x8b: {  	v8 =	vmul.f32 v54, v44;
	v32 =	vld.idx.msk [tilespmem:v9+s10+$0x0], $0xffff  }
0x8c: {  	v56 =	vor.u32 $0x1, v5  }
0x8d: {  	v57 =	vor.u32 $0x1, v9;
	v8 =	vadd.f32 v8, v59  }
0x8e: {  	v58 =	vmin.f32 v49, v36  }
0x8f: {  	v31 =	vmax.f32 v58, v31;
	v8 =	vmul.f32 v61, v8;
	[tilespmem:v12+s14+$0x0] =	vst.idx.msk $0xffff, v6  }
0x90: {  	v6 =	vsub.f32 v31, v7;
	[tilespmem:v13+s14+$0x0] =	vst.idx.msk $0xffff, v32  }
0x91: {  	v7 =	vadd.f32 v8, v41;
	v8 =	vld.idx.msk [tilespmem:v56+s10+$0x0], $0xffff  }
0x92: {  	v31 =	vld.idx.msk [tilespmem:v57+s10+$0x0], $0xffff;
	v6 =	vmul.f32 $1.442695020e+00, v6  }
0x93: {  	v5 =	vor.u32 $0x2, v5;
	(erf) = vrcp.f32 v7  }
0x94: {  	v7 =	vor.u32 $0x2, v9;
	(erf) = vpow2.f32 v6;
	_ =	sdelay $0x1  }
0x95: {  	[tilespmem:v14+s14+$0x0] =	vst.idx.msk $0xffff, v8  }
0x96: {  	[tilespmem:v15+s14+$0x0] =	vst.idx.msk $0xffff, v31  }
0x97: {  	v5 =	vld.idx.msk [tilespmem:v5+s10+$0x0], $0xffff  }
0x98: {  	v6 =	vld.idx.msk [tilespmem:v7+s10+$0x0], $0xffff  }
0x99: {  	vm1 =	vgt.f32 v49, v36  }
0x9a: {  	v8 =	vnsel vm1, s17, v25;
	v7 =	vsel vm1, s17, v25;
	vm1 =	vgt.f32 v58, v38  }
0x9b: {  	v8 =	vsel vm1, v8, v29;
	v7 =	vshll.u32 v7, $0x2;
	v9 =	vpop (erf)  }
0x9c: {  	v8 =	vshll.u32 v8, $0x2;
	[tilespmem:v16+s14+$0x0] =	vst.idx.msk $0xffff, v5;
	v5 =	vpop (erf)  }
0x9d: {  	[tilespmem:v17+s14+$0x0] =	vst.idx.msk $0xffff, v6;
	v5 =	vmul.f32 v9, v5  }
0x9e: {  	[tilespmem:v3+s13+$0x0] =	vst.idx.msk $0xffff, v9  }
0x9f: {  	[tilespmem:v18+s13+$0x0] =	vst.idx.msk $0xffff, v5  }
0xa0: {  	v5 =	vld.idx.msk [tilespmem:v7+s10+$0x0], $0xffff  }
0xa1: {  	v6 =	vmul.f32 v39, v33;
	v9 =	vld.idx.msk [tilespmem:v8+s10+$0x0], $0xffff  }
0xa2: {  	v25 =	vor.u32 $0x1, v7  }
0xa3: {  	v29 =	vor.u32 $0x1, v8;
	v6 =	vadd.f32 v6, v30;
	_ =	sdelay $0x1  }
0xa4: {  	v6 =	vmul.f32 v40, v6;
	[tilespmem:v19+s14+$0x0] =	vst.idx.msk $0xffff, v5  }
0xa5: {  	v5 =	vsub.f32 v28, v27;
	[tilespmem:v20+s14+$0x0] =	vst.idx.msk $0xffff, v9  }
0xa6: {  	v6 =	vadd.f32 v6, v60;
	v9 =	vld.idx.msk [tilespmem:v25+s10+$0x0], $0xffff  }
0xa7: {  	v25 =	vld.idx.msk [tilespmem:v29+s10+$0x0], $0xffff;
	v5 =	vmul.f32 $1.442695020e+00, v5  }
0xa8: {  	v7 =	vor.u32 $0x2, v7;
	(erf) = vrcp.f32 v6  }
0xa9: {  	v6 =	vor.u32 $0x2, v8;
	(erf) = vpow2.f32 v5;
	_ =	sdelay $0x1  }
0xaa: {  	[tilespmem:v21+s14+$0x0] =	vst.idx.msk $0xffff, v9  }
0xab: {  	[tilespmem:v22+s14+$0x0] =	vst.idx.msk $0xffff, v25  }
0xac: {  	v5 =	vld.idx.msk [tilespmem:v7+s10+$0x0], $0xffff  }
0xad: {  	v6 =	vld.idx.msk [tilespmem:v6+s10+$0x0], $0xffff;
	v7 =	vor.u32 $0x2082, v2;
	_ =	sdelay $0x1  }
0xae: {  	v8 =	vor.u32 $0x1801, v0  }
0xaf: {  	v9 =	vsel vm0, v50, v24;
	v25 =	vshll.u32 v26, $0x2;
	v24 =	vpop (erf)  }
0xb0: {  	v9 =	vshll.u32 v9, $0x2;
	[tilespmem:v23+s14+$0x0] =	vst.idx.msk $0xffff, v5;
	v5 =	vpop (erf)  }
0xb1: {  	[tilespmem:v7+s14+$0x0] =	vst.idx.msk $0xffff, v6;
	v5 =	vmul.f32 v24, v5  }
0xb2: {  	[tilespmem:v4+s13+$0x0] =	vst.idx.msk $0xffff, v24  }
0xb3: {  	[tilespmem:v8+s13+$0x0] =	vst.idx.msk $0xffff, v5  }
0xb4: {  	v6 =	vor.u32 $0x3000, v2;
	v5 =	vld.idx.msk [tilespmem:v25+s10+$0x0], $0xffff  }
0xb5: {  	v8 =	vor.u32 $0x3080, v2;
	v7 =	vld.idx.msk [tilespmem:v9+s10+$0x0], $0xffff  }
0xb6: {  	v24 =	vor.u32 $0x1, v25  }
0xb7: {  	v26 =	vor.u32 $0x1, v9;
	_ =	sdelay $0x1  }
0xb8: {  	[tilespmem:v6+s14+$0x0] =	vst.idx.msk $0xffff, v5  }
0xb9: {  	[tilespmem:v8+s14+$0x0] =	vst.idx.msk $0xffff, v7  }
0xba: {  	v6 =	vor.u32 $0x3001, v2;
	v5 =	vld.idx.msk [tilespmem:v24+s10+$0x0], $0xffff  }
0xbb: {  	v8 =	vor.u32 $0x3081, v2;
	v7 =	vld.idx.msk [tilespmem:v26+s10+$0x0], $0xffff  }
0xbc: {  	v24 =	vor.u32 $0x2, v25  }
0xbd: {  	v9 =	vor.u32 $0x2, v9;
	_ =	sdelay $0x1  }
0xbe: {  	[tilespmem:v6+s14+$0x0] =	vst.idx.msk $0xffff, v5  }
0xbf: {  	[tilespmem:v8+s14+$0x0] =	vst.idx.msk $0xffff, v7  }
0xc0: {  	v6 =	vor.u32 $0x3002, v2;
	v5 =	vld.idx.msk [tilespmem:v24+s10+$0x0], $0xffff  }
0xc1: {  	v8 =	vor.u32 $0x3082, v2;
	v7 =	vld.idx.msk [tilespmem:v9+s10+$0x0], $0xffff;
	_ =	sdelay $0x2  }
0xc2: {  	s18 =	simm.s32 $0x0  }
0xc3: {  	[tilespmem:v6+s14+$0x0] =	vst.idx.msk $0xffff, v5;
	v5 =	vor.u32 s18, v4  }
0xc4: {  	[tilespmem:v8+s14+$0x0] =	vst.idx.msk $0xffff, v7  }
0xc5: {  	v6 =	vor.u32 s18, v3;
	_ =	swait.ge [sflag:s15], $0x2000  }
0xc6: {  	[sflag:s15] =	ssyncset.done $0x0  }
0xc7: {  	v8 =	vor.u32 s18, v1;
	[sflag:s15] =	ssyncadd.s32 $0xFFFFE000  }
0xc8: {  	v5 =	vld.idx.msk [tilespmem:v5+s9+$0x0], $0xffff;
	_ =	sdelay $0x1  }
0xc9: {  	v6 =	vld.idx.msk [tilespmem:v6+s9+$0x0], $0xffff  }
0xca: {  	v51 =	vimm.f32 $0.0e+00;
	v41 =	vimm.f32 $0.0e+00;
	s17 =	simm.s32 $0x1  }
0xcb: {  	v35 =	vor.u32 s17, v3;
	v58 =	vor.u32 s17, v1;
	v7 =	vimm.f32 $-1.000000020e+30;
	v8 =	vld.idx.msk [tilespmem:v8+s9+$0x0], $0xffff  }
0xcc: {  	v40 =	vimm.f32 $0.0e+00;
	v27 =	vor.u32 s18, v0;
	v26 =	vmax.f32 v5, v7  }
0xcd: {  	v9 =	vimm.s32 $0x0;
	v25 =	vmin.f32 v5, v7;
	v24 =	vsub.f32 v5, v26  }
0xce: {  	vm0 =	vgt.f32 v5, v7;
	v50 =	vmax.f32 v6, v7;
	v5 =	vsub.f32 v7, v26  }
0xcf: {  	v31 =	vmax.f32 v25, v7;
	v33 =	vsel vm0, s18, v9;
	v24 =	vmul.f32 $1.442695020e+00, v24  }
0xd0: {  	vm1 =	vgt.f32 v25, v7;
	v34 =	vmax.f32 v8, v7;
	v5 =	vmul.f32 $1.442695020e+00, v5  }
0xd1: {  	v25 =	vnsel vm0, s18, v9;
	v59 =	vsub.f32 v7, v34;
	(erf) = vpow2.f32 v24  }
0xd2: {  	v29 =	vsub.f32 v7, v50;
	vm0 =	vgt.f32 v6, v7;
	(erf) = vpow2.f32 v5;
	v5 =	vld.idx.msk [tilespmem:v27+s9+$0x0], $0xffff  }
0xd3: {  	v28 =	vor.u32 s17, v4;
	v30 =	vnsel vm0, s18, v9;
	v32 =	vmul.f32 $1.442695020e+00, v59  }
0xd4: {  	v59 =	vor.u32 s17, v0;
	v24 =	vsel vm1, v25, v9;
	v27 =	vmul.f32 $1.442695020e+00, v29  }
0xd5: {  	v25 =	vsel vm0, s18, v9;
	vm0 =	vgt.f32 v8, v7;
	v29 =	vmin.f32 v6, v7  }
0xd6: {  	v6 =	vsub.f32 v6, v50;
	v37 =	vsel vm0, s18, v9;
	(erf) = vpow2.f32 v27  }
0xd7: {  	v27 =	vmin.f32 v8, v7;
	v8 =	vsub.f32 v8, v34;
	v44 =	vmax.f32 v5, v7  }
0xd8: {  	v6 =	vmul.f32 $1.442695020e+00, v6;
	v38 =	vmax.f32 v27, v7;
	v61 =	vsub.f32 v7, v44  }
0xd9: {  	(erf) = vpow2.f32 v32;
	v32 =	vmax.f32 v29, v7;
	vm1 =	vgt.f32 v5, v7  }
0xda: {  	v28 =	vld.idx.msk [tilespmem:v28+s9+$0x0], $0xffff;
	v60 =	vmin.f32 v5, v7;
	v5 =	vsub.f32 v5, v44;
	v63 =	vmul.f32 $1.442695020e+00, v61  }
0xdb: {  	v8 =	vmul.f32 $1.442695020e+00, v8;
	v46 =	vmax.f32 v60, v7;
	v42 =	vsel vm1, s18, v9  }
0xdc: {  	vm2 =	vgt.f32 v60, v7;
	v5 =	vmul.f32 $1.442695020e+00, v5;
	(erf) = vpow2.f32 v63  }
0xdd: {  	v56 =	vmovc v34;
	v62 =	vnsel vm1, s18, v9;
	vm1 =	vgt.f32 v27, v7;
	(erf) = vpow2.f32 v8  }
0xde: {  	v47 =	vld.idx.msk [tilespmem:v35+s9+$0x0], $0xffff;
	v49 =	vmovc v37;
	v45 =	vmovc v38;
	v27 =	vnsel vm0, s18, v9;
	vm0 =	vgt.f32 v29, v7;
	(erf) = vpow2.f32 v5  }
0xdf: {  	v35 =	vmovc v32;
	v55 =	vmovc v44;
	v39 =	vsel vm1, v27, v9;
	v27 =	vmax.f32 v28, v26;
	(erf) = vpow2.f32 v6  }
0xe0: {  	v43 =	vsel vm2, v62, v9;
	v29 =	vsel vm0, v30, v9;
	v30 =	vpop (erf);
	v5 =	vsub.f32 v28, v27  }
0xe1: {  	vm1 =	vgt.f32 v28, v26;
	v53 =	vmov v46;
	v7 =	vsub.f32 v26, v27;
	v36 =	vpop (erf)  }
0xe2: {  	v48 =	vnsel vm1, s17, v33;
	v52 =	vpop (erf);
	v6 =	vmin.f32 v28, v26;
	v5 =	vmul.f32 $1.442695020e+00, v5  }
0xe3: {  	v60 =	vmul.f32 $1.442695020e+00, v7;
	v57 =	vpop (erf);
	v26 =	vsel vm1, s17, v33;
	v28 =	vmax.f32 v6, v31  }
0xe4: {  	s18 =	simm.s32 $0x2;
	v54 =	vmovc v42;
	v33 =	vmovc v50;
	vm0 =	vgt.f32 v6, v31;
	v31 =	vimm.f32 $0.0e+00;
	(erf) = vpow2.f32 v5  }
.LBB2_4:
0xe5: {  	v5 =	vor.u32 s18, v4;
	p0 =	sne.s32 s18, $0x47;
	v24 =	vsel vm0, v48, v24;
	(erf) = vpow2.f32 v60;
	v6 =	vpop (erf)  }
0xe6: {  	v50 =	vmax.f32 v47, v50;
	v8 =	vmul.f32 v57, v51;
	v7 =	vld.idx.msk [tilespmem:v58+s9+$0x0], $0xffff;
	v58 =	vmul.f32 v6, v40;
	v9 =	vpop (erf)  }
0xe7: {  	v41 =	vmul.f32 v52, v41;
	v31 =	vmul.f32 v36, v31;
	v48 =	vsub.f32 v33, v50;
	v36 =	vpop (erf)  }
0xe8: {  	vm0 =	vgt.f32 v47, v33;
	v51 =	vadd.f32 v8, v9;
	v52 =	vld.idx.msk [tilespmem:v59+s9+$0x0], $0xffff;
	v40 =	vadd.f32 v58, v36;
	v6 =	vpop (erf)  }
0xe9: {  	v31 =	vadd.f32 v31, v30;
	v9 =	vmovc v28;
	v8 =	vmul.f32 $1.442695020e+00, v48;
	v41 =	vadd.f32 v41, v6;
	v6 =	vmovc v27  }
0xea: {  	v61 =	vmovc v26;
	v57 =	vnsel vm0, s17, v25;
	v25 =	vsel vm0, s17, v25;
	v48 =	vmin.f32 v47, v33;
	v33 =	vmovc v50  }
0xeb: {  	v58 =	vor.u32 s18, v3;
	v47 =	vsub.f32 v47, v50;
	(erf) = vpow2.f32 v8  }
0xec: {  	vm0 =	vgt.f32 v7, v34;
	v8 =	vmin.f32 v7, v34;
	v56 =	vmax.f32 v7, v56  }
0xed: {  	v38 =	vmax.f32 v8, v38;
	v59 =	vsub.f32 v34, v56;
	v7 =	vsub.f32 v7, v56;
	v30 =	vpop (erf)  }
0xee: {  	vm1 =	vgt.f32 v52, v44;
	v60 =	vmin.f32 v52, v44;
	v55 =	vmax.f32 v52, v55;
	v36 =	vpop (erf)  }
0xef: {  	v34 =	vmovc v56;
	v46 =	vmax.f32 v60, v46;
	v42 =	vsel vm1, s17, v42;
	v62 =	vsub.f32 v44, v55;
	v44 =	vmovc v55  }
0xf0: {  	vm2 =	vgt.f32 v60, v53;
	v60 =	vnsel vm1, s17, v54;
	v59 =	vmul.f32 $1.442695020e+00, v59;
	v53 =	vmovc v46;
	v54 =	vmovc v42;
	v5 =	vld.idx.msk [tilespmem:v5+s9+$0x0], $0xffff  }
0xf1: {  	v43 =	vsel vm2, v60, v43;
	v60 =	vmul.f32 $1.442695020e+00, v62;
	v62 =	vsub.f32 v52, v55  }
0xf2: {  	v37 =	vsel vm0, s17, v37;
	v7 =	vmul.f32 $1.442695020e+00, v7;
	(erf) = vpow2.f32 v59  }
0xf3: {  	vm1 =	vgt.f32 v8, v45;
	v45 =	vmovc v38;
	v59 =	vmul.f32 $1.442695020e+00, v62;
	(erf) = vpow2.f32 v60  }
0xf4: {  	v47 =	vmul.f32 $1.442695020e+00, v47;
	v8 =	vnsel vm0, s17, v49;
	s17 =	smov.u32 s18;
	(erf) = vpow2.f32 v7;
	v52 =	vpop (erf)  }
0xf5: {  	v32 =	vmax.f32 v48, v32;
	v49 =	vmovc v37;
	v39 =	vsel vm1, v8, v39;
	(erf) = vpow2.f32 v59  }
0xf6: {  	vm0 =	vgt.f32 v48, v35;
	v35 =	vmovc v32;
	v27 =	vmax.f32 v5, v27;
	(erf) = vpow2.f32 v47  }
.Ltmp1:
0xf7: {  	v29 =	vsel vm0, v57, v29;
	vm1 =	vgt.f32 v5, v6;
	v7 =	vsub.f32 v5, v27;
	v47 =	vld.idx.msk [tilespmem:v58+s9+$0x0], $0xffff;
	(pc) =	sbr.rel @p0 .LBB2_4-.Ltmp1, $4  }
0xf8: {  	v5 =	vmin.f32 v5, v6;
	v6 =	vsub.f32 v6, v27;
	v58 =	vor.u32 s18, v1  }
0xf9: {  	v26 =	vsel vm1, s18, v26;
	v28 =	vmax.f32 v5, v28;
	v7 =	vmul.f32 $1.442695020e+00, v7  }
0xfa: {  	v59 =	vor.u32 s18, v0;
	vm0 =	vgt.f32 v5, v9;
	v60 =	vmul.f32 $1.442695020e+00, v6  }
0xfb: {  	v48 =	vnsel vm1, s17, v61;
	s18 =	sadd.s32 $0x1, s18;
	(erf) = vpow2.f32 v7;
	v57 =	vpop (erf)  }
0xfc: {  	_ =	sdelay $0x3  }
0xfd: {  	v5 =	vld.idx.msk [tilespmem:v58+s9+$0x0], $0xffff  }
0xfe: {  	v6 =	vld.idx.msk [tilespmem:v59+s9+$0x0], $0xffff;
	_ =	sdelay $0x1  }
0xff: {  	v7 =	vmax.f32 v47, v50  }
0x100: {  	v8 =	vsub.f32 v33, v7;
	_ =	sdelay $0x1  }
0x101: {  	v8 =	vmul.f32 $1.442695020e+00, v8;
	v9 =	vmax.f32 v5, v56;
	v55 =	vmax.f32 v6, v55  }
0x102: {  	(erf) = vpow2.f32 v60;
	v63 =	vsub.f32 v34, v9;
	v61 =	vsub.f32 v44, v55  }
0x103: {  	(erf) = vpow2.f32 v8  }
0x104: {  	v58 =	vsub.f32 v5, v9;
	v50 =	vmul.f32 $1.442695020e+00, v63;
	v8 =	vmul.f32 $1.442695020e+00, v61  }
0x105: {  	v62 =	vsub.f32 v6, v55  }
0x106: {  	v58 =	vmul.f32 $1.442695020e+00, v58;
	(erf) = vpow2.f32 v50  }
0x107: {  	v63 =	vmul.f32 $1.442695020e+00, v62;
	(erf) = vpow2.f32 v8  }
0x108: {  	v8 =	vpop (erf);
	(erf) = vpow2.f32 v58  }
0x109: {  	v56 =	vpop (erf);
	(erf) = vpow2.f32 v63  }
0x10a: {  	v58 =	vpop (erf)  }
0x10b: {  	v59 =	vpop (erf)  }
0x10c: {  	v50 =	vpop (erf)  }
0x10d: {  	v8 =	vmul.f32 v8, v40;
	v40 =	vpop (erf)  }
0x10e: {  	v60 =	vpop (erf)  }
0x10f: {  	v8 =	vadd.f32 v8, v58;
	v58 =	vpop (erf)  }
0x110: {  	v61 =	vsub.f32 v47, v7;
	v62 =	vmin.f32 v6, v44;
	v63 =	vpop (erf)  }
0x111: {  	v46 =	vmax.f32 v62, v46;
	v8 =	vmul.f32 v63, v8;
	v63 =	vpop (erf)  }
0x112: {  	v61 =	vmul.f32 $1.442695020e+00, v61;
	v46 =	vsub.f32 v46, v55;
	v55 =	vpop (erf)  }
0x113: {  	v8 =	vadd.f32 v8, v55  }
0x114: {  	v46 =	vmul.f32 $1.442695020e+00, v46;
	(erf) = vpow2.f32 v61  }
0x115: {  	(erf) = vrcp.f32 v8  }
0x116: {  	(erf) = vpow2.f32 v46;
	_ =	sdelay $0x4  }
0x117: {  	vm1 =	vgt.f32 v6, v44  }
0x118: {  	v6 =	vsel vm1, s17, v42;
	v8 =	vor.u32 $0x2000, v0  }
0x119: {  	vm2 =	vgt.f32 v62, v53;
	v55 =	vnsel vm1, s17, v54;
	v46 =	vor.u32 $0x2001, v0;
	v44 =	vpop (erf)  }
0x11a: {  	v6 =	vshll.u32 v6, $0x2;
	v42 =	vsel vm2, v55, v43;
	v61 =	vpop (erf)  }
0x11b: {  	v42 =	vshll.u32 v42, $0x2;
	v62 =	vpop (erf)  }
0x11c: {  	v53 =	vmul.f32 v61, v62  }
0x11d: {  	[tilespmem:v8+s13+$0x0] =	vst.idx.msk $0xffff, v61  }
0x11e: {  	[tilespmem:v46+s13+$0x0] =	vst.idx.msk $0xffff, v53  }
0x11f: {  	v43 =	vor.u32 $0x4000, v2;
	v8 =	vld.idx.msk [tilespmem:v6+s10+$0x0], $0xffff  }
0x120: {  	v57 =	vmul.f32 v57, v51;
	v53 =	vor.u32 $0x4080, v2;
	v51 =	vld.idx.msk [tilespmem:v42+s10+$0x0], $0xffff  }
0x121: {  	v61 =	vor.u32 $0x1, v6  }
0x122: {  	v62 =	vor.u32 $0x1, v42;
	v46 =	vadd.f32 v57, v56  }
0x123: {  	v56 =	vmin.f32 v5, v34  }
0x124: {  	v38 =	vmax.f32 v56, v38;
	[tilespmem:v43+s14+$0x0] =	vst.idx.msk $0xffff, v8;
	v8 =	vmul.f32 v58, v46  }
0x125: {  	v9 =	vsub.f32 v38, v9;
	[tilespmem:v53+s14+$0x0] =	vst.idx.msk $0xffff, v51  }
0x126: {  	v8 =	vadd.f32 v8, v63;
	v58 =	vld.idx.msk [tilespmem:v61+s10+$0x0], $0xffff;
	v61 =	vor.u32 $0x4001, v2  }
0x127: {  	v9 =	vmul.f32 $1.442695020e+00, v9;
	v62 =	vld.idx.msk [tilespmem:v62+s10+$0x0], $0xffff;
	v63 =	vor.u32 $0x4081, v2  }
0x128: {  	v6 =	vor.u32 $0x2, v6;
	(erf) = vrcp.f32 v8  }
0x129: {  	v8 =	vor.u32 $0x2, v42;
	(erf) = vpow2.f32 v9;
	_ =	sdelay $0x1  }
0x12a: {  	[tilespmem:v61+s14+$0x0] =	vst.idx.msk $0xffff, v58  }
0x12b: {  	[tilespmem:v63+s14+$0x0] =	vst.idx.msk $0xffff, v62  }
0x12c: {  	v9 =	vor.u32 $0x4002, v2;
	v6 =	vld.idx.msk [tilespmem:v6+s10+$0x0], $0xffff  }
0x12d: {  	vm12 =	vgt.f32 v5, v34;
	v5 =	vld.idx.msk [tilespmem:v8+s10+$0x0], $0xffff;
	v8 =	vor.u32 $0x4082, v2  }
0x12e: {  	v54 =	vor.u32 $0x2800, v0;
	v55 =	vnsel vm12, s17, v49  }
0x12f: {  	v34 =	vsel vm12, s17, v37;
	vm13 =	vgt.f32 v56, v45;
	v56 =	vor.u32 $0x2801, v0  }
0x130: {  	v34 =	vshll.u32 v34, $0x2;
	v38 =	vsel vm13, v55, v39;
	v57 =	vpop (erf)  }
0x131: {  	[tilespmem:v9+s14+$0x0] =	vst.idx.msk $0xffff, v6;
	v6 =	vpop (erf);
	v9 =	vshll.u32 v38, $0x2  }
0x132: {  	[tilespmem:v8+s14+$0x0] =	vst.idx.msk $0xffff, v5;
	v5 =	vmul.f32 v57, v6  }
0x133: {  	[tilespmem:v54+s13+$0x0] =	vst.idx.msk $0xffff, v57  }
0x134: {  	[tilespmem:v56+s13+$0x0] =	vst.idx.msk $0xffff, v5  }
0x135: {  	v6 =	vor.u32 $0x5000, v2;
	v5 =	vld.idx.msk [tilespmem:v34+s10+$0x0], $0xffff  }
0x136: {  	v58 =	vor.u32 $0x5080, v2;
	v8 =	vmul.f32 v52, v41;
	v37 =	vld.idx.msk [tilespmem:v9+s10+$0x0], $0xffff  }
0x137: {  	v61 =	vor.u32 $0x1, v34  }
0x138: {  	v62 =	vor.u32 $0x1, v9;
	v8 =	vadd.f32 v8, v59  }
0x139: {  	v63 =	vmin.f32 v47, v33  }
0x13a: {  	v32 =	vmax.f32 v63, v32;
	v8 =	vmul.f32 v60, v8;
	[tilespmem:v6+s14+$0x0] =	vst.idx.msk $0xffff, v5  }
0x13b: {  	v5 =	vsub.f32 v32, v7;
	[tilespmem:v58+s14+$0x0] =	vst.idx.msk $0xffff, v37  }
0x13c: {  	v6 =	vadd.f32 v8, v44;
	v8 =	vor.u32 $0x5001, v2;
	v7 =	vld.idx.msk [tilespmem:v61+s10+$0x0], $0xffff  }
0x13d: {  	v46 =	vor.u32 $0x5081, v2;
	v45 =	vld.idx.msk [tilespmem:v62+s10+$0x0], $0xffff;
	v5 =	vmul.f32 $1.442695020e+00, v5  }
0x13e: {  	v34 =	vor.u32 $0x2, v34;
	(erf) = vrcp.f32 v6  }
0x13f: {  	v6 =	vor.u32 $0x2, v9;
	(erf) = vpow2.f32 v5;
	_ =	sdelay $0x1  }
0x140: {  	[tilespmem:v8+s14+$0x0] =	vst.idx.msk $0xffff, v7  }
0x141: {  	[tilespmem:v46+s14+$0x0] =	vst.idx.msk $0xffff, v45  }
0x142: {  	v7 =	vor.u32 $0x5002, v2;
	v5 =	vld.idx.msk [tilespmem:v34+s10+$0x0], $0xffff  }
0x143: {  	vm14 =	vgt.f32 v47, v33;
	v8 =	vor.u32 $0x5082, v2;
	v6 =	vld.idx.msk [tilespmem:v6+s10+$0x0], $0xffff  }
0x144: {  	v49 =	vnsel vm14, s17, v25;
	v47 =	vor.u32 $0x3000, v0  }
0x145: {  	v51 =	vor.u32 $0x3001, v0;
	vm15 =	vgt.f32 v63, v35;
	v9 =	vsel vm14, s17, v25  }
0x146: {  	v25 =	vsel vm15, v49, v29;
	v9 =	vshll.u32 v9, $0x2;
	v52 =	vpop (erf)  }
0x147: {  	[tilespmem:v7+s14+$0x0] =	vst.idx.msk $0xffff, v5;
	v5 =	vpop (erf);
	v7 =	vshll.u32 v25, $0x2  }
0x148: {  	[tilespmem:v8+s14+$0x0] =	vst.idx.msk $0xffff, v6;
	v5 =	vmul.f32 v52, v5  }
0x149: {  	[tilespmem:v47+s13+$0x0] =	vst.idx.msk $0xffff, v52  }
0x14a: {  	[tilespmem:v51+s13+$0x0] =	vst.idx.msk $0xffff, v5  }
0x14b: {  	v6 =	vor.u32 $0x6000, v2;
	v5 =	vld.idx.msk [tilespmem:v9+s10+$0x0], $0xffff  }
0x14c: {  	v53 =	vor.u32 $0x6080, v2;
	v8 =	vmul.f32 v36, v31;
	v25 =	vld.idx.msk [tilespmem:v7+s10+$0x0], $0xffff  }
0x14d: {  	v54 =	vor.u32 $0x1, v9  }
0x14e: {  	v55 =	vor.u32 $0x1, v7;
	v8 =	vadd.f32 v8, v30;
	_ =	sdelay $0x1  }
0x14f: {  	v8 =	vmul.f32 v40, v8;
	[tilespmem:v6+s14+$0x0] =	vst.idx.msk $0xffff, v5  }
0x150: {  	v5 =	vsub.f32 v28, v27;
	[tilespmem:v53+s14+$0x0] =	vst.idx.msk $0xffff, v25  }
0x151: {  	v56 =	vor.u32 $0x6001, v2;
	v6 =	vadd.f32 v8, v50;
	v8 =	vld.idx.msk [tilespmem:v54+s10+$0x0], $0xffff  }
0x152: {  	v58 =	vor.u32 $0x6081, v2;
	v57 =	vld.idx.msk [tilespmem:v55+s10+$0x0], $0xffff;
	v5 =	vmul.f32 $1.442695020e+00, v5  }
0x153: {  	v9 =	vor.u32 $0x2, v9;
	(erf) = vrcp.f32 v6  }
0x154: {  	v6 =	vor.u32 $0x2, v7;
	(erf) = vpow2.f32 v5;
	_ =	sdelay $0x1  }
0x155: {  	[tilespmem:v56+s14+$0x0] =	vst.idx.msk $0xffff, v8  }
0x156: {  	[tilespmem:v58+s14+$0x0] =	vst.idx.msk $0xffff, v57  }
0x157: {  	v7 =	vor.u32 $0x6002, v2;
	v5 =	vld.idx.msk [tilespmem:v9+s10+$0x0], $0xffff  }
0x158: {  	v8 =	vor.u32 $0x6082, v2;
	v6 =	vld.idx.msk [tilespmem:v6+s10+$0x0], $0xffff  }
0x159: {  	v9 =	vor.u32 $0x3800, v0  }
0x15a: {  	v59 =	vor.u32 $0x3801, v0  }
0x15b: {  	v24 =	vsel vm0, v48, v24;
	v26 =	vshll.u32 v26, $0x2;
	v60 =	vpop (erf)  }
0x15c: {  	[tilespmem:v7+s14+$0x0] =	vst.idx.msk $0xffff, v5;
	v5 =	vpop (erf);
	v7 =	vshll.u32 v24, $0x2  }
0x15d: {  	[tilespmem:v8+s14+$0x0] =	vst.idx.msk $0xffff, v6;
	v5 =	vmul.f32 v60, v5  }
0x15e: {  	[tilespmem:v9+s13+$0x0] =	vst.idx.msk $0xffff, v60  }
0x15f: {  	[tilespmem:v59+s13+$0x0] =	vst.idx.msk $0xffff, v5  }
0x160: {  	v6 =	vor.u32 $0x7000, v2;
	v5 =	vld.idx.msk [tilespmem:v26+s10+$0x0], $0xffff  }
0x161: {  	v9 =	vor.u32 $0x7080, v2;
	v8 =	vld.idx.msk [tilespmem:v7+s10+$0x0], $0xffff  }
0x162: {  	v61 =	vor.u32 $0x1, v26  }
0x163: {  	v62 =	vor.u32 $0x1, v7;
	_ =	sdelay $0x1  }
0x164: {  	[tilespmem:v6+s14+$0x0] =	vst.idx.msk $0xffff, v5  }
0x165: {  	[tilespmem:v9+s14+$0x0] =	vst.idx.msk $0xffff, v8  }
0x166: {  	v6 =	vor.u32 $0x7001, v2;
	v5 =	vld.idx.msk [tilespmem:v61+s10+$0x0], $0xffff  }
0x167: {  	v9 =	vor.u32 $0x7081, v2;
	v8 =	vld.idx.msk [tilespmem:v62+s10+$0x0], $0xffff  }
0x168: {  	v63 =	vor.u32 $0x2, v26  }
0x169: {  	v7 =	vor.u32 $0x2, v7;
	_ =	sdelay $0x1  }
0x16a: {  	[tilespmem:v6+s14+$0x0] =	vst.idx.msk $0xffff, v5  }
0x16b: {  	[tilespmem:v9+s14+$0x0] =	vst.idx.msk $0xffff, v8  }
0x16c: {  	v6 =	vor.u32 $0x7002, v2;
	v5 =	vld.idx.msk [tilespmem:v63+s10+$0x0], $0xffff  }
0x16d: {  	v8 =	vor.u32 $0x7082, v2;
	v7 =	vld.idx.msk [tilespmem:v7+s10+$0x0], $0xffff;
	_ =	sdelay $0x3  }
0x16e: {  	[tilespmem:v6+s14+$0x0] =	vst.idx.msk $0xffff, v5  }
0x16f: {  	[tilespmem:v8+s14+$0x0] =	vst.idx.msk $0xffff, v7  }
0x170: {  	[hbm4b:s6+s3] =	stream.linear.scatter [tilespmem:s13], [sflag:$0x3], $0x4000, $0x38;
	[tilespmem:$0x10180] =	vst v63  }
0x171: {  	s16 =	sadd.s32 $0x1, s16;
	_ =	swait.ge [sflag:s11], $0x4000  }
0x172: {  	p0 =	sne.s32 s16, s8;
	[sflag:s11] =	ssyncset.done $0x0  }
.Ltmp2:
0x173: {  	[sflag:s11] =	ssyncadd.s32 $0xFFFFC000;
	(pc) =	sbr.rel @p0 .LBB2_1-.Ltmp2, $4  }
0x174: {  	[hbm4b:s7+s3] =	stream.linear.scatter [tilespmem:s14], [sflag:$0x3], $0x8000, $0x38;
	[tilespmem:$0x10180] =	vst v63  }
0x175: {  	_ =	swait.ge [sflag:s11], $0x8000  }
0x176: {  	[sflag:s11] =	ssyncset.done $0x0  }
0x177: {  	[sflag:s11] =	ssyncadd.s32 $0xFFFF8000  }
0x178: {  	_ =	sfence.sel $0x180000  }
0x179: {  	[bflag:$0x0] =	sbarrier.arrive $0xFFFF  }
0x17a: {  	p0 =	sne.s32 s1, $0x0;
	_ =	strace $0x90000047  }
0x17b: {  	s0 =	sadd.s32 @!p0 $0x100000, s0;
	[bflag:$0x2] =	sbarrier.arrive $0xFFFF  }
0x17c: {  	[sflag:s0] =	ssyncadd.tile.s32 @!p0 $0x1;
	_ =	shalt  }
.Lfunc_end2:
_tile_overlayer_lowered:
.L_overlay_start_2:
0x17d: {  	(tag) =	ssettag $0x2  }
0x17e: {  	s0 =	rddreg [dreg:$0x0];
	s2 =	stileid.u32  }
0x17f: {  	s1 =	rddreg [dreg:$0x1];
	p0 =	sne.s32 s2, $0x0  }
0x180: {  	s3 =	rddreg [dreg:$0x2];
	[bflag:$0x3] =	sbarrier.arrive $0xFFFF;
	s2 =	simm.s32 @!p0 $0x1C03  }
0x181: {  	[timem:s3], [sflag:s2] =	dma.local @!p0 [hbm:s0], s1  }
0x182: {  	s0 =	simm.s32 @!p0 $0x3  }
0x183: {  	_ =	swait.ge @!p0 [sflag:s0], s1  }
0x184: {  	s1 =	ssub.s32 @!p0 $0x0, s1;
	[sflag:s0] =	ssyncset.done @!p0 $0x0  }
0x185: {  	[sflag:s0] =	ssyncadd.s32 @!p0 s1  }
0x186: {  	[bflag:$0x3] =	sbarrier.arrive $0xFFFF  }
0x187: {  	_ =	shalt  }

</sc_bundles>
